<compile_context>
chip_gen: v7x
topology: tpu7x:2x2x1
jax: 0.10.2.dev20260603
libtpu: 0.0.44.dev20260713+nightly
codegen_flags: <defaults>
</compile_context>

<pallas_src>
import functools

import jax
import jax.numpy as jnp
from jax import lax
from jax.experimental import pallas as pl
from jax.experimental.pallas import tpu as pltpu
from jax.experimental.pallas import tpu_sc as plsc

VOCAB = 1000000
EMB = 32
ROWS_TOTAL = 4096 * 200

NC = 2
NS = 16
NW = NC * NS
B_PER_W = ROWS_TOTAL // NW

GROUP = 128
GROUPS_PER_STEP = 5
STEP_ROWS = GROUP * GROUPS_PER_STEP
NBUF = 4
NSTEPS = B_PER_W // STEP_ROWS
NITER = NSTEPS // NBUF
IDX_ROWS = B_PER_W // GROUP

_mesh = plsc.VectorSubcoreMesh(core_axis_name="c", subcore_axis_name="s")


@functools.partial(
    pl.kernel,
    mesh=_mesh,
    out_type=jax.ShapeDtypeStruct((ROWS_TOTAL, EMB), jnp.float32),
    scratch_types=(
        [pltpu.VMEM((IDX_ROWS, GROUP), jnp.int32)]
        + [pltpu.VMEM((STEP_ROWS, EMB), jnp.float32) for _ in range(NBUF)]
        + [pltpu.SemaphoreType.DMA for _ in range(2 * NBUF)]
    ),
    compiler_params=pltpu.CompilerParams(use_tc_tiling_on_sc=False),
)
def _embed(x_hbm, table_hbm, out_hbm, idx_v, *bufs_and_sems):
    bufs = bufs_and_sems[:NBUF]
    gsems = bufs_and_sems[NBUF:2 * NBUF]
    wsems = bufs_and_sems[2 * NBUF:]

    wid = lax.axis_index("s") * NC + lax.axis_index("c")
    row_base = wid * B_PER_W

    pltpu.sync_copy(x_hbm.at[pl.ds(wid * IDX_ROWS, IDX_ROWS)], idx_v)

    def start_gathers(step, b):
        for j in range(GROUPS_PER_STEP):
            pltpu.async_copy(
                table_hbm.at[idx_v.at[step * GROUPS_PER_STEP + j]],
                bufs[b].at[pl.ds(j * GROUP, GROUP)],
                gsems[b],
            )

    def wait_gathers(b):
        pltpu.make_async_copy(
            table_hbm.at[pl.ds(0, STEP_ROWS)], bufs[b], gsems[b]
        ).wait()

    def start_write(step, b):
        pltpu.async_copy(
            bufs[b],
            out_hbm.at[pl.ds(row_base + step * STEP_ROWS, STEP_ROWS)],
            wsems[b],
        )

    def wait_write(b):
        pltpu.make_async_copy(
            table_hbm.at[pl.ds(0, STEP_ROWS)], bufs[b], wsems[b]
        ).wait()

    for b in range(NBUF):
        start_gathers(b, b)

    def body(t):
        for b in range(NBUF):
            wait_gathers(b)
            start_write(t * NBUF + b, b)
        for b in range(NBUF):
            wait_write(b)
            start_gathers((t + 1) * NBUF + b, b)

    pl.loop(0, NITER - 1)(body)

    t_last = NITER - 1
    for b in range(NBUF):
        wait_gathers(b)
        start_write(t_last * NBUF + b, b)
    for b in range(NBUF):
        wait_write(b)


def kernel(x, weight):
    x_flat = x.reshape(-1).astype(jnp.int32).reshape(NW * IDX_ROWS, GROUP)
    out = _embed(x_flat, weight)
    return out.reshape(x.shape + (EMB,))

# --- scband reference (transcript-rebuilt; emitter-appended) ---
"""Pipeline reference for scband-word-embedder-31782757990569 (READ-ONLY COPY).

The authoritative reference and input builder live on the scoring server;
editing this copy changes nothing except your own understanding.
"""

import jax, jax.numpy as jnp
import numpy as np

VOCAB = 1000000
EMB_DIM = 32
BATCH = 4096
HIST = 200


def setup_inputs(seed: int = 0) -> dict:
    key = jax.random.key(seed)
    k_idx, k_w = jax.random.split(key)
    x = jax.random.randint(k_idx, (BATCH, HIST), 0, VOCAB, dtype=jnp.int64)
    weight = jax.random.normal(k_w, (VOCAB, EMB_DIM), dtype=jnp.float32)
    return {"x": x, "weight": weight}


def reference(x, weight):
    # nn.Embedding forward: row gather from the embedding table
    return jnp.take(weight, x, axis=0)

if __name__ == "__main__":
    import jax
    _d = setup_inputs()
    print(jax.jit(kernel)(*tuple(_d.values())))

</pallas_src>

<mosaic_0001>
#map = affine_map<(d0, d1) -> (0, 0)>
module attributes {stable_mosaic.version = 14 : i64} {
  func.func @_embed(%arg0: i32, %arg1: i32, %arg2: memref<6400x128xi32, #tpu.memory_space<hbm>>, %arg3: memref<1000000x32xf32, #tpu.memory_space<hbm>>, %arg4: memref<819200x32xf32, #tpu.memory_space<hbm>>, %arg5: memref<200x128xi32, #tpu.memory_space<vmem>>, %arg6: memref<640x32xf32, #tpu.memory_space<vmem>>, %arg7: memref<640x32xf32, #tpu.memory_space<vmem>>, %arg8: memref<640x32xf32, #tpu.memory_space<vmem>>, %arg9: memref<640x32xf32, #tpu.memory_space<vmem>>, %arg10: memref<!tpu.dma_semaphore, #tpu.memory_space<semaphore_mem>>, %arg11: memref<!tpu.dma_semaphore, #tpu.memory_space<semaphore_mem>>, %arg12: memref<!tpu.dma_semaphore, #tpu.memory_space<semaphore_mem>>, %arg13: memref<!tpu.dma_semaphore, #tpu.memory_space<semaphore_mem>>, %arg14: memref<!tpu.dma_semaphore, #tpu.memory_space<semaphore_mem>>, %arg15: memref<!tpu.dma_semaphore, #tpu.memory_space<semaphore_mem>>, %arg16: memref<!tpu.dma_semaphore, #tpu.memory_space<semaphore_mem>>, %arg17: memref<!tpu.dma_semaphore, #tpu.memory_space<semaphore_mem>>) attributes {dimension_semantics = [#tpu.dimension_semantics<core_parallel>, #tpu.dimension_semantics<subcore_parallel>], iteration_bounds = array<i64: 2, 16>, scalar_prefetch = 0 : i64, scratch_operands = 13 : i64, tpu.core_type = #tpu.core_type<sc_vector_subcore>, window_params = [{transform_indices = #map}, {transform_indices = #map}, {transform_indices = #map}]} {
    %mul3A = arith.constant 2 : i32
    %mul3A_0 = arith.muli %arg1, %mul3A : i32
    %add3A = arith.addi %mul3A_0, %arg0 : i32
    %mul3A_1 = arith.constant 25600 : i32
    %mul3A_2 = arith.muli %add3A, %mul3A_1 : i32
    %mul3A_3 = arith.constant 200 : i32
    %mul3A_4 = arith.muli %add3A, %mul3A_3 : i32
    "tpu.region"() ({
      %run_scoped3A = tpu.sem_alloc : memref<!tpu.dma_semaphore, #tpu.memory_space<semaphore_mem>>
      %dma_start3A_279 = arith.constant 0 : i32
      %dma_start3A_280 = tpu.memref_slice %arg2[%mul3A_4, %dma_start3A_279] : memref<6400x128xi32, #tpu.memory_space<hbm>> -> memref<200x128xi32, #tpu.memory_space<hbm>>
      %dma_start3A_281 = arith.constant 0 : i32
      %dma_start3A_282 = tpu.memref_slice %arg2[%mul3A_4, %dma_start3A_281] : memref<6400x128xi32, #tpu.memory_space<hbm>> -> memref<200x128xi32, #tpu.memory_space<hbm>>
      tpu.enqueue_dma source(%dma_start3A_282 : memref<200x128xi32, #tpu.memory_space<hbm>>) target(%arg5 : memref<200x128xi32, #tpu.memory_space<vmem>>) target_semaphore(%run_scoped3A : memref<!tpu.dma_semaphore, #tpu.memory_space<semaphore_mem>>)
      %dma_wait3A_283 = arith.constant 0 : i32
      %dma_wait3A_284 = tpu.memref_slice %arg2[%mul3A_4, %dma_wait3A_283] : memref<6400x128xi32, #tpu.memory_space<hbm>> -> memref<200x128xi32, #tpu.memory_space<hbm>>
      %dma_wait3A_285 = arith.constant 0 : i32
      %dma_wait3A_286 = tpu.memref_slice %arg2[%mul3A_4, %dma_wait3A_285] : memref<6400x128xi32, #tpu.memory_space<hbm>> -> memref<200x128xi32, #tpu.memory_space<hbm>>
      tpu.wait_dma2 semaphore(%run_scoped3A : memref<!tpu.dma_semaphore, #tpu.memory_space<semaphore_mem>>) src(%dma_wait3A_286 : memref<200x128xi32, #tpu.memory_space<hbm>>) dst(%arg5 : memref<200x128xi32, #tpu.memory_space<vmem>>)
      tpu.yield
    }) : () -> ()
    %dma_start3A = arith.constant 0 : i32
    %dma_start3A_5 = arith.constant 0 : i32
    %dma_start3A_6 = arith.constant 0 : i32
    %dma_start3A_7 = tpu.memref_slice %arg6[%dma_start3A_5, %dma_start3A_6] : memref<640x32xf32, #tpu.memory_space<vmem>> -> memref<128x32xf32, #tpu.memory_space<vmem>>
    %dma_start3A_8 = arith.constant 0 : i32
    %dma_start3A_9 = tpu.memref_slice %arg5[%dma_start3A, %dma_start3A_8] : memref<200x128xi32, #tpu.memory_space<vmem>> -> memref<1x128xi32, #tpu.memory_space<vmem>>
    %dma_start3A_10 = tpu.memref_squeeze %dma_start3A_9 : memref<1x128xi32, #tpu.memory_space<vmem>> -> memref<128xi32, #tpu.memory_space<vmem>>
    %dma_start3A_11 = arith.constant 0 : i32
    %dma_start3A_12 = arith.constant 0 : i32
    %dma_start3A_13 = tpu.memref_slice %arg3[%dma_start3A_11, %dma_start3A_12] : memref<1000000x32xf32, #tpu.memory_space<hbm>> -> memref<1000000x32xf32, #tpu.memory_space<hbm>>
    tpu.enqueue_indirect_dma source(%dma_start3A_13 : memref<1000000x32xf32, #tpu.memory_space<hbm>>) target(%dma_start3A_7 : memref<128x32xf32, #tpu.memory_space<vmem>>) offsets(%dma_start3A_10 : memref<128xi32, #tpu.memory_space<vmem>>) semaphore(%arg10 : memref<!tpu.dma_semaphore, #tpu.memory_space<semaphore_mem>>)
    %dma_start3A_14 = arith.constant 1 : i32
    %dma_start3A_15 = arith.constant 128 : i32
    %dma_start3A_16 = arith.constant 0 : i32
    %dma_start3A_17 = tpu.memref_slice %arg6[%dma_start3A_15, %dma_start3A_16] : memref<640x32xf32, #tpu.memory_space<vmem>> -> memref<128x32xf32, #tpu.memory_space<vmem>>
    %dma_start3A_18 = arith.constant 0 : i32
    %dma_start3A_19 = tpu.memref_slice %arg5[%dma_start3A_14, %dma_start3A_18] : memref<200x128xi32, #tpu.memory_space<vmem>> -> memref<1x128xi32, #tpu.memory_space<vmem>>
    %dma_start3A_20 = tpu.memref_squeeze %dma_start3A_19 : memref<1x128xi32, #tpu.memory_space<vmem>> -> memref<128xi32, #tpu.memory_space<vmem>>
    %dma_start3A_21 = arith.constant 0 : i32
    %dma_start3A_22 = arith.constant 0 : i32
    %dma_start3A_23 = tpu.memref_slice %arg3[%dma_start3A_21, %dma_start3A_22] : memref<1000000x32xf32, #tpu.memory_space<hbm>> -> memref<1000000x32xf32, #tpu.memory_space<hbm>>
    tpu.enqueue_indirect_dma source(%dma_start3A_23 : memref<1000000x32xf32, #tpu.memory_space<hbm>>) target(%dma_start3A_17 : memref<128x32xf32, #tpu.memory_space<vmem>>) offsets(%dma_start3A_20 : memref<128xi32, #tpu.memory_space<vmem>>) semaphore(%arg10 : memref<!tpu.dma_semaphore, #tpu.memory_space<semaphore_mem>>)
    %dma_start3A_24 = arith.constant 2 : i32
    %dma_start3A_25 = arith.constant 256 : i32
    %dma_start3A_26 = arith.constant 0 : i32
    %dma_start3A_27 = tpu.memref_slice %arg6[%dma_start3A_25, %dma_start3A_26] : memref<640x32xf32, #tpu.memory_space<vmem>> -> memref<128x32xf32, #tpu.memory_space<vmem>>
    %dma_start3A_28 = arith.constant 0 : i32
    %dma_start3A_29 = tpu.memref_slice %arg5[%dma_start3A_24, %dma_start3A_28] : memref<200x128xi32, #tpu.memory_space<vmem>> -> memref<1x128xi32, #tpu.memory_space<vmem>>
    %dma_start3A_30 = tpu.memref_squeeze %dma_start3A_29 : memref<1x128xi32, #tpu.memory_space<vmem>> -> memref<128xi32, #tpu.memory_space<vmem>>
    %dma_start3A_31 = arith.constant 0 : i32
    %dma_start3A_32 = arith.constant 0 : i32
    %dma_start3A_33 = tpu.memref_slice %arg3[%dma_start3A_31, %dma_start3A_32] : memref<1000000x32xf32, #tpu.memory_space<hbm>> -> memref<1000000x32xf32, #tpu.memory_space<hbm>>
    tpu.enqueue_indirect_dma source(%dma_start3A_33 : memref<1000000x32xf32, #tpu.memory_space<hbm>>) target(%dma_start3A_27 : memref<128x32xf32, #tpu.memory_space<vmem>>) offsets(%dma_start3A_30 : memref<128xi32, #tpu.memory_space<vmem>>) semaphore(%arg10 : memref<!tpu.dma_semaphore, #tpu.memory_space<semaphore_mem>>)
    %dma_start3A_34 = arith.constant 3 : i32
    %dma_start3A_35 = arith.constant 384 : i32
    %dma_start3A_36 = arith.constant 0 : i32
    %dma_start3A_37 = tpu.memref_slice %arg6[%dma_start3A_35, %dma_start3A_36] : memref<640x32xf32, #tpu.memory_space<vmem>> -> memref<128x32xf32, #tpu.memory_space<vmem>>
    %dma_start3A_38 = arith.constant 0 : i32
    %dma_start3A_39 = tpu.memref_slice %arg5[%dma_start3A_34, %dma_start3A_38] : memref<200x128xi32, #tpu.memory_space<vmem>> -> memref<1x128xi32, #tpu.memory_space<vmem>>
    %dma_start3A_40 = tpu.memref_squeeze %dma_start3A_39 : memref<1x128xi32, #tpu.memory_space<vmem>> -> memref<128xi32, #tpu.memory_space<vmem>>
    %dma_start3A_41 = arith.constant 0 : i32
    %dma_start3A_42 = arith.constant 0 : i32
    %dma_start3A_43 = tpu.memref_slice %arg3[%dma_start3A_41, %dma_start3A_42] : memref<1000000x32xf32, #tpu.memory_space<hbm>> -> memref<1000000x32xf32, #tpu.memory_space<hbm>>
    tpu.enqueue_indirect_dma source(%dma_start3A_43 : memref<1000000x32xf32, #tpu.memory_space<hbm>>) target(%dma_start3A_37 : memref<128x32xf32, #tpu.memory_space<vmem>>) offsets(%dma_start3A_40 : memref<128xi32, #tpu.memory_space<vmem>>) semaphore(%arg10 : memref<!tpu.dma_semaphore, #tpu.memory_space<semaphore_mem>>)
    %dma_start3A_44 = arith.constant 4 : i32
    %dma_start3A_45 = arith.constant 512 : i32
    %dma_start3A_46 = arith.constant 0 : i32
    %dma_start3A_47 = tpu.memref_slice %arg6[%dma_start3A_45, %dma_start3A_46] : memref<640x32xf32, #tpu.memory_space<vmem>> -> memref<128x32xf32, #tpu.memory_space<vmem>>
    %dma_start3A_48 = arith.constant 0 : i32
    %dma_start3A_49 = tpu.memref_slice %arg5[%dma_start3A_44, %dma_start3A_48] : memref<200x128xi32, #tpu.memory_space<vmem>> -> memref<1x128xi32, #tpu.memory_space<vmem>>
    %dma_start3A_50 = tpu.memref_squeeze %dma_start3A_49 : memref<1x128xi32, #tpu.memory_space<vmem>> -> memref<128xi32, #tpu.memory_space<vmem>>
    %dma_start3A_51 = arith.constant 0 : i32
    %dma_start3A_52 = arith.constant 0 : i32
    %dma_start3A_53 = tpu.memref_slice %arg3[%dma_start3A_51, %dma_start3A_52] : memref<1000000x32xf32, #tpu.memory_space<hbm>> -> memref<1000000x32xf32, #tpu.memory_space<hbm>>
    tpu.enqueue_indirect_dma source(%dma_start3A_53 : memref<1000000x32xf32, #tpu.memory_space<hbm>>) target(%dma_start3A_47 : memref<128x32xf32, #tpu.memory_space<vmem>>) offsets(%dma_start3A_50 : memref<128xi32, #tpu.memory_space<vmem>>) semaphore(%arg10 : memref<!tpu.dma_semaphore, #tpu.memory_space<semaphore_mem>>)
    %dma_start3A_54 = arith.constant 5 : i32
    %dma_start3A_55 = arith.constant 0 : i32
    %dma_start3A_56 = arith.constant 0 : i32
    %dma_start3A_57 = tpu.memref_slice %arg7[%dma_start3A_55, %dma_start3A_56] : memref<640x32xf32, #tpu.memory_space<vmem>> -> memref<128x32xf32, #tpu.memory_space<vmem>>
    %dma_start3A_58 = arith.constant 0 : i32
    %dma_start3A_59 = tpu.memref_slice %arg5[%dma_start3A_54, %dma_start3A_58] : memref<200x128xi32, #tpu.memory_space<vmem>> -> memref<1x128xi32, #tpu.memory_space<vmem>>
    %dma_start3A_60 = tpu.memref_squeeze %dma_start3A_59 : memref<1x128xi32, #tpu.memory_space<vmem>> -> memref<128xi32, #tpu.memory_space<vmem>>
    %dma_start3A_61 = arith.constant 0 : i32
    %dma_start3A_62 = arith.constant 0 : i32
    %dma_start3A_63 = tpu.memref_slice %arg3[%dma_start3A_61, %dma_start3A_62] : memref<1000000x32xf32, #tpu.memory_space<hbm>> -> memref<1000000x32xf32, #tpu.memory_space<hbm>>
    tpu.enqueue_indirect_dma source(%dma_start3A_63 : memref<1000000x32xf32, #tpu.memory_space<hbm>>) target(%dma_start3A_57 : memref<128x32xf32, #tpu.memory_space<vmem>>) offsets(%dma_start3A_60 : memref<128xi32, #tpu.memory_space<vmem>>) semaphore(%arg11 : memref<!tpu.dma_semaphore, #tpu.memory_space<semaphore_mem>>)
    %dma_start3A_64 = arith.constant 6 : i32
    %dma_start3A_65 = arith.constant 128 : i32
    %dma_start3A_66 = arith.constant 0 : i32
    %dma_start3A_67 = tpu.memref_slice %arg7[%dma_start3A_65, %dma_start3A_66] : memref<640x32xf32, #tpu.memory_space<vmem>> -> memref<128x32xf32, #tpu.memory_space<vmem>>
    %dma_start3A_68 = arith.constant 0 : i32
    %dma_start3A_69 = tpu.memref_slice %arg5[%dma_start3A_64, %dma_start3A_68] : memref<200x128xi32, #tpu.memory_space<vmem>> -> memref<1x128xi32, #tpu.memory_space<vmem>>
    %dma_start3A_70 = tpu.memref_squeeze %dma_start3A_69 : memref<1x128xi32, #tpu.memory_space<vmem>> -> memref<128xi32, #tpu.memory_space<vmem>>
    %dma_start3A_71 = arith.constant 0 : i32
    %dma_start3A_72 = arith.constant 0 : i32
    %dma_start3A_73 = tpu.memref_slice %arg3[%dma_start3A_71, %dma_start3A_72] : memref<1000000x32xf32, #tpu.memory_space<hbm>> -> memref<1000000x32xf32, #tpu.memory_space<hbm>>
    tpu.enqueue_indirect_dma source(%dma_start3A_73 : memref<1000000x32xf32, #tpu.memory_space<hbm>>) target(%dma_start3A_67 : memref<128x32xf32, #tpu.memory_space<vmem>>) offsets(%dma_start3A_70 : memref<128xi32, #tpu.memory_space<vmem>>) semaphore(%arg11 : memref<!tpu.dma_semaphore, #tpu.memory_space<semaphore_mem>>)
    %dma_start3A_74 = arith.constant 7 : i32
    %dma_start3A_75 = arith.constant 256 : i32
    %dma_start3A_76 = arith.constant 0 : i32
    %dma_start3A_77 = tpu.memref_slice %arg7[%dma_start3A_75, %dma_start3A_76] : memref<640x32xf32, #tpu.memory_space<vmem>> -> memref<128x32xf32, #tpu.memory_space<vmem>>
    %dma_start3A_78 = arith.constant 0 : i32
    %dma_start3A_79 = tpu.memref_slice %arg5[%dma_start3A_74, %dma_start3A_78] : memref<200x128xi32, #tpu.memory_space<vmem>> -> memref<1x128xi32, #tpu.memory_space<vmem>>
    %dma_start3A_80 = tpu.memref_squeeze %dma_start3A_79 : memref<1x128xi32, #tpu.memory_space<vmem>> -> memref<128xi32, #tpu.memory_space<vmem>>
    %dma_start3A_81 = arith.constant 0 : i32
    %dma_start3A_82 = arith.constant 0 : i32
    %dma_start3A_83 = tpu.memref_slice %arg3[%dma_start3A_81, %dma_start3A_82] : memref<1000000x32xf32, #tpu.memory_space<hbm>> -> memref<1000000x32xf32, #tpu.memory_space<hbm>>
    tpu.enqueue_indirect_dma source(%dma_start3A_83 : memref<1000000x32xf32, #tpu.memory_space<hbm>>) target(%dma_start3A_77 : memref<128x32xf32, #tpu.memory_space<vmem>>) offsets(%dma_start3A_80 : memref<128xi32, #tpu.memory_space<vmem>>) semaphore(%arg11 : memref<!tpu.dma_semaphore, #tpu.memory_space<semaphore_mem>>)
    %dma_start3A_84 = arith.constant 8 : i32
    %dma_start3A_85 = arith.constant 384 : i32
    %dma_start3A_86 = arith.constant 0 : i32
    %dma_start3A_87 = tpu.memref_slice %arg7[%dma_start3A_85, %dma_start3A_86] : memref<640x32xf32, #tpu.memory_space<vmem>> -> memref<128x32xf32, #tpu.memory_space<vmem>>
    %dma_start3A_88 = arith.constant 0 : i32
    %dma_start3A_89 = tpu.memref_slice %arg5[%dma_start3A_84, %dma_start3A_88] : memref<200x128xi32, #tpu.memory_space<vmem>> -> memref<1x128xi32, #tpu.memory_space<vmem>>
    %dma_start3A_90 = tpu.memref_squeeze %dma_start3A_89 : memref<1x128xi32, #tpu.memory_space<vmem>> -> memref<128xi32, #tpu.memory_space<vmem>>
    %dma_start3A_91 = arith.constant 0 : i32
    %dma_start3A_92 = arith.constant 0 : i32
    %dma_start3A_93 = tpu.memref_slice %arg3[%dma_start3A_91, %dma_start3A_92] : memref<1000000x32xf32, #tpu.memory_space<hbm>> -> memref<1000000x32xf32, #tpu.memory_space<hbm>>
    tpu.enqueue_indirect_dma source(%dma_start3A_93 : memref<1000000x32xf32, #tpu.memory_space<hbm>>) target(%dma_start3A_87 : memref<128x32xf32, #tpu.memory_space<vmem>>) offsets(%dma_start3A_90 : memref<128xi32, #tpu.memory_space<vmem>>) semaphore(%arg11 : memref<!tpu.dma_semaphore, #tpu.memory_space<semaphore_mem>>)
    %dma_start3A_94 = arith.constant 9 : i32
    %dma_start3A_95 = arith.constant 512 : i32
    %dma_start3A_96 = arith.constant 0 : i32
    %dma_start3A_97 = tpu.memref_slice %arg7[%dma_start3A_95, %dma_start3A_96] : memref<640x32xf32, #tpu.memory_space<vmem>> -> memref<128x32xf32, #tpu.memory_space<vmem>>
    %dma_start3A_98 = arith.constant 0 : i32
    %dma_start3A_99 = tpu.memref_slice %arg5[%dma_start3A_94, %dma_start3A_98] : memref<200x128xi32, #tpu.memory_space<vmem>> -> memref<1x128xi32, #tpu.memory_space<vmem>>
    %dma_start3A_100 = tpu.memref_squeeze %dma_start3A_99 : memref<1x128xi32, #tpu.memory_space<vmem>> -> memref<128xi32, #tpu.memory_space<vmem>>
    %dma_start3A_101 = arith.constant 0 : i32
    %dma_start3A_102 = arith.constant 0 : i32
    %dma_start3A_103 = tpu.memref_slice %arg3[%dma_start3A_101, %dma_start3A_102] : memref<1000000x32xf32, #tpu.memory_space<hbm>> -> memref<1000000x32xf32, #tpu.memory_space<hbm>>
    tpu.enqueue_indirect_dma source(%dma_start3A_103 : memref<1000000x32xf32, #tpu.memory_space<hbm>>) target(%dma_start3A_97 : memref<128x32xf32, #tpu.memory_space<vmem>>) offsets(%dma_start3A_100 : memref<128xi32, #tpu.memory_space<vmem>>) semaphore(%arg11 : memref<!tpu.dma_semaphore, #tpu.memory_space<semaphore_mem>>)
    %dma_start3A_104 = arith.constant 10 : i32
    %dma_start3A_105 = arith.constant 0 : i32
    %dma_start3A_106 = arith.constant 0 : i32
    %dma_start3A_107 = tpu.memref_slice %arg8[%dma_start3A_105, %dma_start3A_106] : memref<640x32xf32, #tpu.memory_space<vmem>> -> memref<128x32xf32, #tpu.memory_space<vmem>>
    %dma_start3A_108 = arith.constant 0 : i32
    %dma_start3A_109 = tpu.memref_slice %arg5[%dma_start3A_104, %dma_start3A_108] : memref<200x128xi32, #tpu.memory_space<vmem>> -> memref<1x128xi32, #tpu.memory_space<vmem>>
    %dma_start3A_110 = tpu.memref_squeeze %dma_start3A_109 : memref<1x128xi32, #tpu.memory_space<vmem>> -> memref<128xi32, #tpu.memory_space<vmem>>
    %dma_start3A_111 = arith.constant 0 : i32
    %dma_start3A_112 = arith.constant 0 : i32
    %dma_start3A_113 = tpu.memref_slice %arg3[%dma_start3A_111, %dma_start3A_112] : memref<1000000x32xf32, #tpu.memory_space<hbm>> -> memref<1000000x32xf32, #tpu.memory_space<hbm>>
    tpu.enqueue_indirect_dma source(%dma_start3A_113 : memref<1000000x32xf32, #tpu.memory_space<hbm>>) target(%dma_start3A_107 : memref<128x32xf32, #tpu.memory_space<vmem>>) offsets(%dma_start3A_110 : memref<128xi32, #tpu.memory_space<vmem>>) semaphore(%arg12 : memref<!tpu.dma_semaphore, #tpu.memory_space<semaphore_mem>>)
    %dma_start3A_114 = arith.constant 11 : i32
    %dma_start3A_115 = arith.constant 128 : i32
    %dma_start3A_116 = arith.constant 0 : i32
    %dma_start3A_117 = tpu.memref_slice %arg8[%dma_start3A_115, %dma_start3A_116] : memref<640x32xf32, #tpu.memory_space<vmem>> -> memref<128x32xf32, #tpu.memory_space<vmem>>
    %dma_start3A_118 = arith.constant 0 : i32
    %dma_start3A_119 = tpu.memref_slice %arg5[%dma_start3A_114, %dma_start3A_118] : memref<200x128xi32, #tpu.memory_space<vmem>> -> memref<1x128xi32, #tpu.memory_space<vmem>>
    %dma_start3A_120 = tpu.memref_squeeze %dma_start3A_119 : memref<1x128xi32, #tpu.memory_space<vmem>> -> memref<128xi32, #tpu.memory_space<vmem>>
    %dma_start3A_121 = arith.constant 0 : i32
    %dma_start3A_122 = arith.constant 0 : i32
    %dma_start3A_123 = tpu.memref_slice %arg3[%dma_start3A_121, %dma_start3A_122] : memref<1000000x32xf32, #tpu.memory_space<hbm>> -> memref<1000000x32xf32, #tpu.memory_space<hbm>>
    tpu.enqueue_indirect_dma source(%dma_start3A_123 : memref<1000000x32xf32, #tpu.memory_space<hbm>>) target(%dma_start3A_117 : memref<128x32xf32, #tpu.memory_space<vmem>>) offsets(%dma_start3A_120 : memref<128xi32, #tpu.memory_space<vmem>>) semaphore(%arg12 : memref<!tpu.dma_semaphore, #tpu.memory_space<semaphore_mem>>)
    %dma_start3A_124 = arith.constant 12 : i32
    %dma_start3A_125 = arith.constant 256 : i32
    %dma_start3A_126 = arith.constant 0 : i32
    %dma_start3A_127 = tpu.memref_slice %arg8[%dma_start3A_125, %dma_start3A_126] : memref<640x32xf32, #tpu.memory_space<vmem>> -> memref<128x32xf32, #tpu.memory_space<vmem>>
    %dma_start3A_128 = arith.constant 0 : i32
    %dma_start3A_129 = tpu.memref_slice %arg5[%dma_start3A_124, %dma_start3A_128] : memref<200x128xi32, #tpu.memory_space<vmem>> -> memref<1x128xi32, #tpu.memory_space<vmem>>
    %dma_start3A_130 = tpu.memref_squeeze %dma_start3A_129 : memref<1x128xi32, #tpu.memory_space<vmem>> -> memref<128xi32, #tpu.memory_space<vmem>>
    %dma_start3A_131 = arith.constant 0 : i32
    %dma_start3A_132 = arith.constant 0 : i32
    %dma_start3A_133 = tpu.memref_slice %arg3[%dma_start3A_131, %dma_start3A_132] : memref<1000000x32xf32, #tpu.memory_space<hbm>> -> memref<1000000x32xf32, #tpu.memory_space<hbm>>
    tpu.enqueue_indirect_dma source(%dma_start3A_133 : memref<1000000x32xf32, #tpu.memory_space<hbm>>) target(%dma_start3A_127 : memref<128x32xf32, #tpu.memory_space<vmem>>) offsets(%dma_start3A_130 : memref<128xi32, #tpu.memory_space<vmem>>) semaphore(%arg12 : memref<!tpu.dma_semaphore, #tpu.memory_space<semaphore_mem>>)
    %dma_start3A_134 = arith.constant 13 : i32
    %dma_start3A_135 = arith.constant 384 : i32
    %dma_start3A_136 = arith.constant 0 : i32
    %dma_start3A_137 = tpu.memref_slice %arg8[%dma_start3A_135, %dma_start3A_136] : memref<640x32xf32, #tpu.memory_space<vmem>> -> memref<128x32xf32, #tpu.memory_space<vmem>>
    %dma_start3A_138 = arith.constant 0 : i32
    %dma_start3A_139 = tpu.memref_slice %arg5[%dma_start3A_134, %dma_start3A_138] : memref<200x128xi32, #tpu.memory_space<vmem>> -> memref<1x128xi32, #tpu.memory_space<vmem>>
    %dma_start3A_140 = tpu.memref_squeeze %dma_start3A_139 : memref<1x128xi32, #tpu.memory_space<vmem>> -> memref<128xi32, #tpu.memory_space<vmem>>
    %dma_start3A_141 = arith.constant 0 : i32
    %dma_start3A_142 = arith.constant 0 : i32
    %dma_start3A_143 = tpu.memref_slice %arg3[%dma_start3A_141, %dma_start3A_142] : memref<1000000x32xf32, #tpu.memory_space<hbm>> -> memref<1000000x32xf32, #tpu.memory_space<hbm>>
    tpu.enqueue_indirect_dma source(%dma_start3A_143 : memref<1000000x32xf32, #tpu.memory_space<hbm>>) target(%dma_start3A_137 : memref<128x32xf32, #tpu.memory_space<vmem>>) offsets(%dma_start3A_140 : memref<128xi32, #tpu.memory_space<vmem>>) semaphore(%arg12 : memref<!tpu.dma_semaphore, #tpu.memory_space<semaphore_mem>>)
    %dma_start3A_144 = arith.constant 14 : i32
    %dma_start3A_145 = arith.constant 512 : i32
    %dma_start3A_146 = arith.constant 0 : i32
    %dma_start3A_147 = tpu.memref_slice %arg8[%dma_start3A_145, %dma_start3A_146] : memref<640x32xf32, #tpu.memory_space<vmem>> -> memref<128x32xf32, #tpu.memory_space<vmem>>
    %dma_start3A_148 = arith.constant 0 : i32
    %dma_start3A_149 = tpu.memref_slice %arg5[%dma_start3A_144, %dma_start3A_148] : memref<200x128xi32, #tpu.memory_space<vmem>> -> memref<1x128xi32, #tpu.memory_space<vmem>>
    %dma_start3A_150 = tpu.memref_squeeze %dma_start3A_149 : memref<1x128xi32, #tpu.memory_space<vmem>> -> memref<128xi32, #tpu.memory_space<vmem>>
    %dma_start3A_151 = arith.constant 0 : i32
    %dma_start3A_152 = arith.constant 0 : i32
    %dma_start3A_153 = tpu.memref_slice %arg3[%dma_start3A_151, %dma_start3A_152] : memref<1000000x32xf32, #tpu.memory_space<hbm>> -> memref<1000000x32xf32, #tpu.memory_space<hbm>>
    tpu.enqueue_indirect_dma source(%dma_start3A_153 : memref<1000000x32xf32, #tpu.memory_space<hbm>>) target(%dma_start3A_147 : memref<128x32xf32, #tpu.memory_space<vmem>>) offsets(%dma_start3A_150 : memref<128xi32, #tpu.memory_space<vmem>>) semaphore(%arg12 : memref<!tpu.dma_semaphore, #tpu.memory_space<semaphore_mem>>)
    %dma_start3A_154 = arith.constant 15 : i32
    %dma_start3A_155 = arith.constant 0 : i32
    %dma_start3A_156 = arith.constant 0 : i32
    %dma_start3A_157 = tpu.memref_slice %arg9[%dma_start3A_155, %dma_start3A_156] : memref<640x32xf32, #tpu.memory_space<vmem>> -> memref<128x32xf32, #tpu.memory_space<vmem>>
    %dma_start3A_158 = arith.constant 0 : i32
    %dma_start3A_159 = tpu.memref_slice %arg5[%dma_start3A_154, %dma_start3A_158] : memref<200x128xi32, #tpu.memory_space<vmem>> -> memref<1x128xi32, #tpu.memory_space<vmem>>
    %dma_start3A_160 = tpu.memref_squeeze %dma_start3A_159 : memref<1x128xi32, #tpu.memory_space<vmem>> -> memref<128xi32, #tpu.memory_space<vmem>>
    %dma_start3A_161 = arith.constant 0 : i32
    %dma_start3A_162 = arith.constant 0 : i32
    %dma_start3A_163 = tpu.memref_slice %arg3[%dma_start3A_161, %dma_start3A_162] : memref<1000000x32xf32, #tpu.memory_space<hbm>> -> memref<1000000x32xf32, #tpu.memory_space<hbm>>
    tpu.enqueue_indirect_dma source(%dma_start3A_163 : memref<1000000x32xf32, #tpu.memory_space<hbm>>) target(%dma_start3A_157 : memref<128x32xf32, #tpu.memory_space<vmem>>) offsets(%dma_start3A_160 : memref<128xi32, #tpu.memory_space<vmem>>) semaphore(%arg13 : memref<!tpu.dma_semaphore, #tpu.memory_space<semaphore_mem>>)
    %dma_start3A_164 = arith.constant 16 : i32
    %dma_start3A_165 = arith.constant 128 : i32
    %dma_start3A_166 = arith.constant 0 : i32
    %dma_start3A_167 = tpu.memref_slice %arg9[%dma_start3A_165, %dma_start3A_166] : memref<640x32xf32, #tpu.memory_space<vmem>> -> memref<128x32xf32, #tpu.memory_space<vmem>>
    %dma_start3A_168 = arith.constant 0 : i32
    %dma_start3A_169 = tpu.memref_slice %arg5[%dma_start3A_164, %dma_start3A_168] : memref<200x128xi32, #tpu.memory_space<vmem>> -> memref<1x128xi32, #tpu.memory_space<vmem>>
    %dma_start3A_170 = tpu.memref_squeeze %dma_start3A_169 : memref<1x128xi32, #tpu.memory_space<vmem>> -> memref<128xi32, #tpu.memory_space<vmem>>
    %dma_start3A_171 = arith.constant 0 : i32
    %dma_start3A_172 = arith.constant 0 : i32
    %dma_start3A_173 = tpu.memref_slice %arg3[%dma_start3A_171, %dma_start3A_172] : memref<1000000x32xf32, #tpu.memory_space<hbm>> -> memref<1000000x32xf32, #tpu.memory_space<hbm>>
    tpu.enqueue_indirect_dma source(%dma_start3A_173 : memref<1000000x32xf32, #tpu.memory_space<hbm>>) target(%dma_start3A_167 : memref<128x32xf32, #tpu.memory_space<vmem>>) offsets(%dma_start3A_170 : memref<128xi32, #tpu.memory_space<vmem>>) semaphore(%arg13 : memref<!tpu.dma_semaphore, #tpu.memory_space<semaphore_mem>>)
    %dma_start3A_174 = arith.constant 17 : i32
    %dma_start3A_175 = arith.constant 256 : i32
    %dma_start3A_176 = arith.constant 0 : i32
    %dma_start3A_177 = tpu.memref_slice %arg9[%dma_start3A_175, %dma_start3A_176] : memref<640x32xf32, #tpu.memory_space<vmem>> -> memref<128x32xf32, #tpu.memory_space<vmem>>
    %dma_start3A_178 = arith.constant 0 : i32
    %dma_start3A_179 = tpu.memref_slice %arg5[%dma_start3A_174, %dma_start3A_178] : memref<200x128xi32, #tpu.memory_space<vmem>> -> memref<1x128xi32, #tpu.memory_space<vmem>>
    %dma_start3A_180 = tpu.memref_squeeze %dma_start3A_179 : memref<1x128xi32, #tpu.memory_space<vmem>> -> memref<128xi32, #tpu.memory_space<vmem>>
    %dma_start3A_181 = arith.constant 0 : i32
    %dma_start3A_182 = arith.constant 0 : i32
    %dma_start3A_183 = tpu.memref_slice %arg3[%dma_start3A_181, %dma_start3A_182] : memref<1000000x32xf32, #tpu.memory_space<hbm>> -> memref<1000000x32xf32, #tpu.memory_space<hbm>>
    tpu.enqueue_indirect_dma source(%dma_start3A_183 : memref<1000000x32xf32, #tpu.memory_space<hbm>>) target(%dma_start3A_177 : memref<128x32xf32, #tpu.memory_space<vmem>>) offsets(%dma_start3A_180 : memref<128xi32, #tpu.memory_space<vmem>>) semaphore(%arg13 : memref<!tpu.dma_semaphore, #tpu.memory_space<semaphore_mem>>)
    %dma_start3A_184 = arith.constant 18 : i32
    %dma_start3A_185 = arith.constant 384 : i32
    %dma_start3A_186 = arith.constant 0 : i32
    %dma_start3A_187 = tpu.memref_slice %arg9[%dma_start3A_185, %dma_start3A_186] : memref<640x32xf32, #tpu.memory_space<vmem>> -> memref<128x32xf32, #tpu.memory_space<vmem>>
    %dma_start3A_188 = arith.constant 0 : i32
    %dma_start3A_189 = tpu.memref_slice %arg5[%dma_start3A_184, %dma_start3A_188] : memref<200x128xi32, #tpu.memory_space<vmem>> -> memref<1x128xi32, #tpu.memory_space<vmem>>
    %dma_start3A_190 = tpu.memref_squeeze %dma_start3A_189 : memref<1x128xi32, #tpu.memory_space<vmem>> -> memref<128xi32, #tpu.memory_space<vmem>>
    %dma_start3A_191 = arith.constant 0 : i32
    %dma_start3A_192 = arith.constant 0 : i32
    %dma_start3A_193 = tpu.memref_slice %arg3[%dma_start3A_191, %dma_start3A_192] : memref<1000000x32xf32, #tpu.memory_space<hbm>> -> memref<1000000x32xf32, #tpu.memory_space<hbm>>
    tpu.enqueue_indirect_dma source(%dma_start3A_193 : memref<1000000x32xf32, #tpu.memory_space<hbm>>) target(%dma_start3A_187 : memref<128x32xf32, #tpu.memory_space<vmem>>) offsets(%dma_start3A_190 : memref<128xi32, #tpu.memory_space<vmem>>) semaphore(%arg13 : memref<!tpu.dma_semaphore, #tpu.memory_space<semaphore_mem>>)
    %dma_start3A_194 = arith.constant 19 : i32
    %dma_start3A_195 = arith.constant 512 : i32
    %dma_start3A_196 = arith.constant 0 : i32
    %dma_start3A_197 = tpu.memref_slice %arg9[%dma_start3A_195, %dma_start3A_196] : memref<640x32xf32, #tpu.memory_space<vmem>> -> memref<128x32xf32, #tpu.memory_space<vmem>>
    %dma_start3A_198 = arith.constant 0 : i32
    %dma_start3A_199 = tpu.memref_slice %arg5[%dma_start3A_194, %dma_start3A_198] : memref<200x128xi32, #tpu.memory_space<vmem>> -> memref<1x128xi32, #tpu.memory_space<vmem>>
    %dma_start3A_200 = tpu.memref_squeeze %dma_start3A_199 : memref<1x128xi32, #tpu.memory_space<vmem>> -> memref<128xi32, #tpu.memory_space<vmem>>
    %dma_start3A_201 = arith.constant 0 : i32
    %dma_start3A_202 = arith.constant 0 : i32
    %dma_start3A_203 = tpu.memref_slice %arg3[%dma_start3A_201, %dma_start3A_202] : memref<1000000x32xf32, #tpu.memory_space<hbm>> -> memref<1000000x32xf32, #tpu.memory_space<hbm>>
    tpu.enqueue_indirect_dma source(%dma_start3A_203 : memref<1000000x32xf32, #tpu.memory_space<hbm>>) target(%dma_start3A_197 : memref<128x32xf32, #tpu.memory_space<vmem>>) offsets(%dma_start3A_200 : memref<128xi32, #tpu.memory_space<vmem>>) semaphore(%arg13 : memref<!tpu.dma_semaphore, #tpu.memory_space<semaphore_mem>>)
    %scan3A = arith.constant 0 : i32
    %scan3A_204 = arith.constant 9 : i32
    %scan3A_205 = arith.addi %scan3A, %scan3A_204 : i32
    %scan3A_206 = arith.constant 1 : i32
    scf.for %scan3A_279 = %scan3A to %scan3A_205 step %scan3A_206  : i32 {
      %mul3A_280 = arith.constant 1 : i32
      %mul3A_281 = arith.muli %scan3A_279, %mul3A_280 : i32
      %add3A_282 = arith.constant 0 : i32
      %add3A_283 = arith.addi %add3A_282, %mul3A_281 : i32
      %dma_wait3A_284 = arith.constant 0 : i32
      %dma_wait3A_285 = arith.constant 0 : i32
      %dma_wait3A_286 = tpu.memref_slice %arg3[%dma_wait3A_284, %dma_wait3A_285] : memref<1000000x32xf32, #tpu.memory_space<hbm>> -> memref<640x32xf32, #tpu.memory_space<hbm>>
      %dma_wait3A_287 = arith.constant 0 : i32
      %dma_wait3A_288 = arith.constant 0 : i32
      %dma_wait3A_289 = tpu.memref_slice %arg3[%dma_wait3A_287, %dma_wait3A_288] : memref<1000000x32xf32, #tpu.memory_space<hbm>> -> memref<640x32xf32, #tpu.memory_space<hbm>>
      tpu.wait_dma2 semaphore(%arg10 : memref<!tpu.dma_semaphore, #tpu.memory_space<semaphore_mem>>) src(%dma_wait3A_289 : memref<640x32xf32, #tpu.memory_space<hbm>>) dst(%arg6 : memref<640x32xf32, #tpu.memory_space<vmem>>)
      %mul3A_290 = arith.constant 4 : i32
      %mul3A_291 = arith.muli %add3A_283, %mul3A_290 : i32
      %add3A_292 = arith.constant 0 : i32
      %add3A_293 = arith.addi %mul3A_291, %add3A_292 : i32
      %mul3A_294 = arith.constant 640 : i32
      %mul3A_295 = arith.muli %add3A_293, %mul3A_294 : i32
      %add3A_296 = arith.addi %mul3A_2, %mul3A_295 : i32
      %dma_start3A_297 = arith.constant 0 : i32
      %dma_start3A_298 = tpu.memref_slice %arg4[%add3A_296, %dma_start3A_297] : memref<819200x32xf32, #tpu.memory_space<hbm>> -> memref<640x32xf32, #tpu.memory_space<hbm>>
      %dma_start3A_299 = arith.constant 0 : i32
      %dma_start3A_300 = tpu.memref_slice %arg4[%add3A_296, %dma_start3A_299] : memref<819200x32xf32, #tpu.memory_space<hbm>> -> memref<640x32xf32, #tpu.memory_space<hbm>>
      tpu.enqueue_dma source(%arg6 : memref<640x32xf32, #tpu.memory_space<vmem>>) target(%dma_start3A_300 : memref<640x32xf32, #tpu.memory_space<hbm>>) target_semaphore(%arg14 : memref<!tpu.dma_semaphore, #tpu.memory_space<semaphore_mem>>)
      %dma_wait3A_301 = arith.constant 0 : i32
      %dma_wait3A_302 = arith.constant 0 : i32
      %dma_wait3A_303 = tpu.memref_slice %arg3[%dma_wait3A_301, %dma_wait3A_302] : memref<1000000x32xf32, #tpu.memory_space<hbm>> -> memref<640x32xf32, #tpu.memory_space<hbm>>
      %dma_wait3A_304 = arith.constant 0 : i32
      %dma_wait3A_305 = arith.constant 0 : i32
      %dma_wait3A_306 = tpu.memref_slice %arg3[%dma_wait3A_304, %dma_wait3A_305] : memref<1000000x32xf32, #tpu.memory_space<hbm>> -> memref<640x32xf32, #tpu.memory_space<hbm>>
      tpu.wait_dma2 semaphore(%arg11 : memref<!tpu.dma_semaphore, #tpu.memory_space<semaphore_mem>>) src(%dma_wait3A_306 : memref<640x32xf32, #tpu.memory_space<hbm>>) dst(%arg7 : memref<640x32xf32, #tpu.memory_space<vmem>>)
      %mul3A_307 = arith.constant 4 : i32
      %mul3A_308 = arith.muli %add3A_283, %mul3A_307 : i32
      %add3A_309 = arith.constant 1 : i32
      %add3A_310 = arith.addi %mul3A_308, %add3A_309 : i32
      %mul3A_311 = arith.constant 640 : i32
      %mul3A_312 = arith.muli %add3A_310, %mul3A_311 : i32
      %add3A_313 = arith.addi %mul3A_2, %mul3A_312 : i32
      %dma_start3A_314 = arith.constant 0 : i32
      %dma_start3A_315 = tpu.memref_slice %arg4[%add3A_313, %dma_start3A_314] : memref<819200x32xf32, #tpu.memory_space<hbm>> -> memref<640x32xf32, #tpu.memory_space<hbm>>
      %dma_start3A_316 = arith.constant 0 : i32
      %dma_start3A_317 = tpu.memref_slice %arg4[%add3A_313, %dma_start3A_316] : memref<819200x32xf32, #tpu.memory_space<hbm>> -> memref<640x32xf32, #tpu.memory_space<hbm>>
      tpu.enqueue_dma source(%arg7 : memref<640x32xf32, #tpu.memory_space<vmem>>) target(%dma_start3A_317 : memref<640x32xf32, #tpu.memory_space<hbm>>) target_semaphore(%arg15 : memref<!tpu.dma_semaphore, #tpu.memory_space<semaphore_mem>>)
      %dma_wait3A_318 = arith.constant 0 : i32
      %dma_wait3A_319 = arith.constant 0 : i32
      %dma_wait3A_320 = tpu.memref_slice %arg3[%dma_wait3A_318, %dma_wait3A_319] : memref<1000000x32xf32, #tpu.memory_space<hbm>> -> memref<640x32xf32, #tpu.memory_space<hbm>>
      %dma_wait3A_321 = arith.constant 0 : i32
      %dma_wait3A_322 = arith.constant 0 : i32
      %dma_wait3A_323 = tpu.memref_slice %arg3[%dma_wait3A_321, %dma_wait3A_322] : memref<1000000x32xf32, #tpu.memory_space<hbm>> -> memref<640x32xf32, #tpu.memory_space<hbm>>
      tpu.wait_dma2 semaphore(%arg12 : memref<!tpu.dma_semaphore, #tpu.memory_space<semaphore_mem>>) src(%dma_wait3A_323 : memref<640x32xf32, #tpu.memory_space<hbm>>) dst(%arg8 : memref<640x32xf32, #tpu.memory_space<vmem>>)
      %mul3A_324 = arith.constant 4 : i32
      %mul3A_325 = arith.muli %add3A_283, %mul3A_324 : i32
      %add3A_326 = arith.constant 2 : i32
      %add3A_327 = arith.addi %mul3A_325, %add3A_326 : i32
      %mul3A_328 = arith.constant 640 : i32
      %mul3A_329 = arith.muli %add3A_327, %mul3A_328 : i32
      %add3A_330 = arith.addi %mul3A_2, %mul3A_329 : i32
      %dma_start3A_331 = arith.constant 0 : i32
      %dma_start3A_332 = tpu.memref_slice %arg4[%add3A_330, %dma_start3A_331] : memref<819200x32xf32, #tpu.memory_space<hbm>> -> memref<640x32xf32, #tpu.memory_space<hbm>>
      %dma_start3A_333 = arith.constant 0 : i32
      %dma_start3A_334 = tpu.memref_slice %arg4[%add3A_330, %dma_start3A_333] : memref<819200x32xf32, #tpu.memory_space<hbm>> -> memref<640x32xf32, #tpu.memory_space<hbm>>
      tpu.enqueue_dma source(%arg8 : memref<640x32xf32, #tpu.memory_space<vmem>>) target(%dma_start3A_334 : memref<640x32xf32, #tpu.memory_space<hbm>>) target_semaphore(%arg16 : memref<!tpu.dma_semaphore, #tpu.memory_space<semaphore_mem>>)
      %dma_wait3A_335 = arith.constant 0 : i32
      %dma_wait3A_336 = arith.constant 0 : i32
      %dma_wait3A_337 = tpu.memref_slice %arg3[%dma_wait3A_335, %dma_wait3A_336] : memref<1000000x32xf32, #tpu.memory_space<hbm>> -> memref<640x32xf32, #tpu.memory_space<hbm>>
      %dma_wait3A_338 = arith.constant 0 : i32
      %dma_wait3A_339 = arith.constant 0 : i32
      %dma_wait3A_340 = tpu.memref_slice %arg3[%dma_wait3A_338, %dma_wait3A_339] : memref<1000000x32xf32, #tpu.memory_space<hbm>> -> memref<640x32xf32, #tpu.memory_space<hbm>>
      tpu.wait_dma2 semaphore(%arg13 : memref<!tpu.dma_semaphore, #tpu.memory_space<semaphore_mem>>) src(%dma_wait3A_340 : memref<640x32xf32, #tpu.memory_space<hbm>>) dst(%arg9 : memref<640x32xf32, #tpu.memory_space<vmem>>)
      %mul3A_341 = arith.constant 4 : i32
      %mul3A_342 = arith.muli %add3A_283, %mul3A_341 : i32
      %add3A_343 = arith.constant 3 : i32
      %add3A_344 = arith.addi %mul3A_342, %add3A_343 : i32
      %mul3A_345 = arith.constant 640 : i32
      %mul3A_346 = arith.muli %add3A_344, %mul3A_345 : i32
      %add3A_347 = arith.addi %mul3A_2, %mul3A_346 : i32
      %dma_start3A_348 = arith.constant 0 : i32
      %dma_start3A_349 = tpu.memref_slice %arg4[%add3A_347, %dma_start3A_348] : memref<819200x32xf32, #tpu.memory_space<hbm>> -> memref<640x32xf32, #tpu.memory_space<hbm>>
      %dma_start3A_350 = arith.constant 0 : i32
      %dma_start3A_351 = tpu.memref_slice %arg4[%add3A_347, %dma_start3A_350] : memref<819200x32xf32, #tpu.memory_space<hbm>> -> memref<640x32xf32, #tpu.memory_space<hbm>>
      tpu.enqueue_dma source(%arg9 : memref<640x32xf32, #tpu.memory_space<vmem>>) target(%dma_start3A_351 : memref<640x32xf32, #tpu.memory_space<hbm>>) target_semaphore(%arg17 : memref<!tpu.dma_semaphore, #tpu.memory_space<semaphore_mem>>)
      %dma_wait3A_352 = arith.constant 0 : i32
      %dma_wait3A_353 = arith.constant 0 : i32
      %dma_wait3A_354 = tpu.memref_slice %arg3[%dma_wait3A_352, %dma_wait3A_353] : memref<1000000x32xf32, #tpu.memory_space<hbm>> -> memref<640x32xf32, #tpu.memory_space<hbm>>
      %dma_wait3A_355 = arith.constant 0 : i32
      %dma_wait3A_356 = arith.constant 0 : i32
      %dma_wait3A_357 = tpu.memref_slice %arg3[%dma_wait3A_355, %dma_wait3A_356] : memref<1000000x32xf32, #tpu.memory_space<hbm>> -> memref<640x32xf32, #tpu.memory_space<hbm>>
      tpu.wait_dma2 semaphore(%arg14 : memref<!tpu.dma_semaphore, #tpu.memory_space<semaphore_mem>>) src(%dma_wait3A_357 : memref<640x32xf32, #tpu.memory_space<hbm>>) dst(%arg6 : memref<640x32xf32, #tpu.memory_space<vmem>>)
      %add3A_358 = arith.constant 1 : i32
      %add3A_359 = arith.addi %add3A_283, %add3A_358 : i32
      %mul3A_360 = arith.constant 4 : i32
      %mul3A_361 = arith.muli %add3A_359, %mul3A_360 : i32
      %add3A_362 = arith.constant 0 : i32
      %add3A_363 = arith.addi %mul3A_361, %add3A_362 : i32
      %mul3A_364 = arith.constant 5 : i32
      %mul3A_365 = arith.muli %add3A_363, %mul3A_364 : i32
      %add3A_366 = arith.constant 0 : i32
      %add3A_367 = arith.addi %mul3A_365, %add3A_366 : i32
      %dma_start3A_368 = arith.constant 0 : i32
      %dma_start3A_369 = arith.constant 0 : i32
      %dma_start3A_370 = tpu.memref_slice %arg6[%dma_start3A_368, %dma_start3A_369] : memref<640x32xf32, #tpu.memory_space<vmem>> -> memref<128x32xf32, #tpu.memory_space<vmem>>
      %dma_start3A_371 = arith.constant 0 : i32
      %dma_start3A_372 = tpu.memref_slice %arg5[%add3A_367, %dma_start3A_371] : memref<200x128xi32, #tpu.memory_space<vmem>> -> memref<1x128xi32, #tpu.memory_space<vmem>>
      %dma_start3A_373 = tpu.memref_squeeze %dma_start3A_372 : memref<1x128xi32, #tpu.memory_space<vmem>> -> memref<128xi32, #tpu.memory_space<vmem>>
      %dma_start3A_374 = arith.constant 0 : i32
      %dma_start3A_375 = arith.constant 0 : i32
      %dma_start3A_376 = tpu.memref_slice %arg3[%dma_start3A_374, %dma_start3A_375] : memref<1000000x32xf32, #tpu.memory_space<hbm>> -> memref<1000000x32xf32, #tpu.memory_space<hbm>>
      tpu.enqueue_indirect_dma source(%dma_start3A_376 : memref<1000000x32xf32, #tpu.memory_space<hbm>>) target(%dma_start3A_370 : memref<128x32xf32, #tpu.memory_space<vmem>>) offsets(%dma_start3A_373 : memref<128xi32, #tpu.memory_space<vmem>>) semaphore(%arg10 : memref<!tpu.dma_semaphore, #tpu.memory_space<semaphore_mem>>)
      %mul3A_377 = arith.constant 5 : i32
      %mul3A_378 = arith.muli %add3A_363, %mul3A_377 : i32
      %add3A_379 = arith.constant 1 : i32
      %add3A_380 = arith.addi %mul3A_378, %add3A_379 : i32
      %dma_start3A_381 = arith.constant 128 : i32
      %dma_start3A_382 = arith.constant 0 : i32
      %dma_start3A_383 = tpu.memref_slice %arg6[%dma_start3A_381, %dma_start3A_382] : memref<640x32xf32, #tpu.memory_space<vmem>> -> memref<128x32xf32, #tpu.memory_space<vmem>>
      %dma_start3A_384 = arith.constant 0 : i32
      %dma_start3A_385 = tpu.memref_slice %arg5[%add3A_380, %dma_start3A_384] : memref<200x128xi32, #tpu.memory_space<vmem>> -> memref<1x128xi32, #tpu.memory_space<vmem>>
      %dma_start3A_386 = tpu.memref_squeeze %dma_start3A_385 : memref<1x128xi32, #tpu.memory_space<vmem>> -> memref<128xi32, #tpu.memory_space<vmem>>
      %dma_start3A_387 = arith.constant 0 : i32
      %dma_start3A_388 = arith.constant 0 : i32
      %dma_start3A_389 = tpu.memref_slice %arg3[%dma_start3A_387, %dma_start3A_388] : memref<1000000x32xf32, #tpu.memory_space<hbm>> -> memref<1000000x32xf32, #tpu.memory_space<hbm>>
      tpu.enqueue_indirect_dma source(%dma_start3A_389 : memref<1000000x32xf32, #tpu.memory_space<hbm>>) target(%dma_start3A_383 : memref<128x32xf32, #tpu.memory_space<vmem>>) offsets(%dma_start3A_386 : memref<128xi32, #tpu.memory_space<vmem>>) semaphore(%arg10 : memref<!tpu.dma_semaphore, #tpu.memory_space<semaphore_mem>>)
      %mul3A_390 = arith.constant 5 : i32
      %mul3A_391 = arith.muli %add3A_363, %mul3A_390 : i32
      %add3A_392 = arith.constant 2 : i32
      %add3A_393 = arith.addi %mul3A_391, %add3A_392 : i32
      %dma_start3A_394 = arith.constant 256 : i32
      %dma_start3A_395 = arith.constant 0 : i32
      %dma_start3A_396 = tpu.memref_slice %arg6[%dma_start3A_394, %dma_start3A_395] : memref<640x32xf32, #tpu.memory_space<vmem>> -> memref<128x32xf32, #tpu.memory_space<vmem>>
      %dma_start3A_397 = arith.constant 0 : i32
      %dma_start3A_398 = tpu.memref_slice %arg5[%add3A_393, %dma_start3A_397] : memref<200x128xi32, #tpu.memory_space<vmem>> -> memref<1x128xi32, #tpu.memory_space<vmem>>
      %dma_start3A_399 = tpu.memref_squeeze %dma_start3A_398 : memref<1x128xi32, #tpu.memory_space<vmem>> -> memref<128xi32, #tpu.memory_space<vmem>>
      %dma_start3A_400 = arith.constant 0 : i32
      %dma_start3A_401 = arith.constant 0 : i32
      %dma_start3A_402 = tpu.memref_slice %arg3[%dma_start3A_400, %dma_start3A_401] : memref<1000000x32xf32, #tpu.memory_space<hbm>> -> memref<1000000x32xf32, #tpu.memory_space<hbm>>
      tpu.enqueue_indirect_dma source(%dma_start3A_402 : memref<1000000x32xf32, #tpu.memory_space<hbm>>) target(%dma_start3A_396 : memref<128x32xf32, #tpu.memory_space<vmem>>) offsets(%dma_start3A_399 : memref<128xi32, #tpu.memory_space<vmem>>) semaphore(%arg10 : memref<!tpu.dma_semaphore, #tpu.memory_space<semaphore_mem>>)
      %mul3A_403 = arith.constant 5 : i32
      %mul3A_404 = arith.muli %add3A_363, %mul3A_403 : i32
      %add3A_405 = arith.constant 3 : i32
      %add3A_406 = arith.addi %mul3A_404, %add3A_405 : i32
      %dma_start3A_407 = arith.constant 384 : i32
      %dma_start3A_408 = arith.constant 0 : i32
      %dma_start3A_409 = tpu.memref_slice %arg6[%dma_start3A_407, %dma_start3A_408] : memref<640x32xf32, #tpu.memory_space<vmem>> -> memref<128x32xf32, #tpu.memory_space<vmem>>
      %dma_start3A_410 = arith.constant 0 : i32
      %dma_start3A_411 = tpu.memref_slice %arg5[%add3A_406, %dma_start3A_410] : memref<200x128xi32, #tpu.memory_space<vmem>> -> memref<1x128xi32, #tpu.memory_space<vmem>>
      %dma_start3A_412 = tpu.memref_squeeze %dma_start3A_411 : memref<1x128xi32, #tpu.memory_space<vmem>> -> memref<128xi32, #tpu.memory_space<vmem>>
      %dma_start3A_413 = arith.constant 0 : i32
      %dma_start3A_414 = arith.constant 0 : i32
      %dma_start3A_415 = tpu.memref_slice %arg3[%dma_start3A_413, %dma_start3A_414] : memref<1000000x32xf32, #tpu.memory_space<hbm>> -> memref<1000000x32xf32, #tpu.memory_space<hbm>>
      tpu.enqueue_indirect_dma source(%dma_start3A_415 : memref<1000000x32xf32, #tpu.memory_space<hbm>>) target(%dma_start3A_409 : memref<128x32xf32, #tpu.memory_space<vmem>>) offsets(%dma_start3A_412 : memref<128xi32, #tpu.memory_space<vmem>>) semaphore(%arg10 : memref<!tpu.dma_semaphore, #tpu.memory_space<semaphore_mem>>)
      %mul3A_416 = arith.constant 5 : i32
      %mul3A_417 = arith.muli %add3A_363, %mul3A_416 : i32
      %add3A_418 = arith.constant 4 : i32
      %add3A_419 = arith.addi %mul3A_417, %add3A_418 : i32
      %dma_start3A_420 = arith.constant 512 : i32
      %dma_start3A_421 = arith.constant 0 : i32
      %dma_start3A_422 = tpu.memref_slice %arg6[%dma_start3A_420, %dma_start3A_421] : memref<640x32xf32, #tpu.memory_space<vmem>> -> memref<128x32xf32, #tpu.memory_space<vmem>>
      %dma_start3A_423 = arith.constant 0 : i32
      %dma_start3A_424 = tpu.memref_slice %arg5[%add3A_419, %dma_start3A_423] : memref<200x128xi32, #tpu.memory_space<vmem>> -> memref<1x128xi32, #tpu.memory_space<vmem>>
      %dma_start3A_425 = tpu.memref_squeeze %dma_start3A_424 : memref<1x128xi32, #tpu.memory_space<vmem>> -> memref<128xi32, #tpu.memory_space<vmem>>
      %dma_start3A_426 = arith.constant 0 : i32
      %dma_start3A_427 = arith.constant 0 : i32
      %dma_start3A_428 = tpu.memref_slice %arg3[%dma_start3A_426, %dma_start3A_427] : memref<1000000x32xf32, #tpu.memory_space<hbm>> -> memref<1000000x32xf32, #tpu.memory_space<hbm>>
      tpu.enqueue_indirect_dma source(%dma_start3A_428 : memref<1000000x32xf32, #tpu.memory_space<hbm>>) target(%dma_start3A_422 : memref<128x32xf32, #tpu.memory_space<vmem>>) offsets(%dma_start3A_425 : memref<128xi32, #tpu.memory_space<vmem>>) semaphore(%arg10 : memref<!tpu.dma_semaphore, #tpu.memory_space<semaphore_mem>>)
      %dma_wait3A_429 = arith.constant 0 : i32
      %dma_wait3A_430 = arith.constant 0 : i32
      %dma_wait3A_431 = tpu.memref_slice %arg3[%dma_wait3A_429, %dma_wait3A_430] : memref<1000000x32xf32, #tpu.memory_space<hbm>> -> memref<640x32xf32, #tpu.memory_space<hbm>>
      %dma_wait3A_432 = arith.constant 0 : i32
      %dma_wait3A_433 = arith.constant 0 : i32
      %dma_wait3A_434 = tpu.memref_slice %arg3[%dma_wait3A_432, %dma_wait3A_433] : memref<1000000x32xf32, #tpu.memory_space<hbm>> -> memref<640x32xf32, #tpu.memory_space<hbm>>
      tpu.wait_dma2 semaphore(%arg15 : memref<!tpu.dma_semaphore, #tpu.memory_space<semaphore_mem>>) src(%dma_wait3A_434 : memref<640x32xf32, #tpu.memory_space<hbm>>) dst(%arg7 : memref<640x32xf32, #tpu.memory_space<vmem>>)
      %add3A_435 = arith.constant 1 : i32
      %add3A_436 = arith.addi %add3A_283, %add3A_435 : i32
      %mul3A_437 = arith.constant 4 : i32
      %mul3A_438 = arith.muli %add3A_436, %mul3A_437 : i32
      %add3A_439 = arith.constant 1 : i32
      %add3A_440 = arith.addi %mul3A_438, %add3A_439 : i32
      %mul3A_441 = arith.constant 5 : i32
      %mul3A_442 = arith.muli %add3A_440, %mul3A_441 : i32
      %add3A_443 = arith.constant 0 : i32
      %add3A_444 = arith.addi %mul3A_442, %add3A_443 : i32
      %dma_start3A_445 = arith.constant 0 : i32
      %dma_start3A_446 = arith.constant 0 : i32
      %dma_start3A_447 = tpu.memref_slice %arg7[%dma_start3A_445, %dma_start3A_446] : memref<640x32xf32, #tpu.memory_space<vmem>> -> memref<128x32xf32, #tpu.memory_space<vmem>>
      %dma_start3A_448 = arith.constant 0 : i32
      %dma_start3A_449 = tpu.memref_slice %arg5[%add3A_444, %dma_start3A_448] : memref<200x128xi32, #tpu.memory_space<vmem>> -> memref<1x128xi32, #tpu.memory_space<vmem>>
      %dma_start3A_450 = tpu.memref_squeeze %dma_start3A_449 : memref<1x128xi32, #tpu.memory_space<vmem>> -> memref<128xi32, #tpu.memory_space<vmem>>
      %dma_start3A_451 = arith.constant 0 : i32
      %dma_start3A_452 = arith.constant 0 : i32
      %dma_start3A_453 = tpu.memref_slice %arg3[%dma_start3A_451, %dma_start3A_452] : memref<1000000x32xf32, #tpu.memory_space<hbm>> -> memref<1000000x32xf32, #tpu.memory_space<hbm>>
      tpu.enqueue_indirect_dma source(%dma_start3A_453 : memref<1000000x32xf32, #tpu.memory_space<hbm>>) target(%dma_start3A_447 : memref<128x32xf32, #tpu.memory_space<vmem>>) offsets(%dma_start3A_450 : memref<128xi32, #tpu.memory_space<vmem>>) semaphore(%arg11 : memref<!tpu.dma_semaphore, #tpu.memory_space<semaphore_mem>>)
      %mul3A_454 = arith.constant 5 : i32
      %mul3A_455 = arith.muli %add3A_440, %mul3A_454 : i32
      %add3A_456 = arith.constant 1 : i32
      %add3A_457 = arith.addi %mul3A_455, %add3A_456 : i32
      %dma_start3A_458 = arith.constant 128 : i32
      %dma_start3A_459 = arith.constant 0 : i32
      %dma_start3A_460 = tpu.memref_slice %arg7[%dma_start3A_458, %dma_start3A_459] : memref<640x32xf32, #tpu.memory_space<vmem>> -> memref<128x32xf32, #tpu.memory_space<vmem>>
      %dma_start3A_461 = arith.constant 0 : i32
      %dma_start3A_462 = tpu.memref_slice %arg5[%add3A_457, %dma_start3A_461] : memref<200x128xi32, #tpu.memory_space<vmem>> -> memref<1x128xi32, #tpu.memory_space<vmem>>
      %dma_start3A_463 = tpu.memref_squeeze %dma_start3A_462 : memref<1x128xi32, #tpu.memory_space<vmem>> -> memref<128xi32, #tpu.memory_space<vmem>>
      %dma_start3A_464 = arith.constant 0 : i32
      %dma_start3A_465 = arith.constant 0 : i32
      %dma_start3A_466 = tpu.memref_slice %arg3[%dma_start3A_464, %dma_start3A_465] : memref<1000000x32xf32, #tpu.memory_space<hbm>> -> memref<1000000x32xf32, #tpu.memory_space<hbm>>
      tpu.enqueue_indirect_dma source(%dma_start3A_466 : memref<1000000x32xf32, #tpu.memory_space<hbm>>) target(%dma_start3A_460 : memref<128x32xf32, #tpu.memory_space<vmem>>) offsets(%dma_start3A_463 : memref<128xi32, #tpu.memory_space<vmem>>) semaphore(%arg11 : memref<!tpu.dma_semaphore, #tpu.memory_space<semaphore_mem>>)
      %mul3A_467 = arith.constant 5 : i32
      %mul3A_468 = arith.muli %add3A_440, %mul3A_467 : i32
      %add3A_469 = arith.constant 2 : i32
      %add3A_470 = arith.addi %mul3A_468, %add3A_469 : i32
      %dma_start3A_471 = arith.constant 256 : i32
      %dma_start3A_472 = arith.constant 0 : i32
      %dma_start3A_473 = tpu.memref_slice %arg7[%dma_start3A_471, %dma_start3A_472] : memref<640x32xf32, #tpu.memory_space<vmem>> -> memref<128x32xf32, #tpu.memory_space<vmem>>
      %dma_start3A_474 = arith.constant 0 : i32
      %dma_start3A_475 = tpu.memref_slice %arg5[%add3A_470, %dma_start3A_474] : memref<200x128xi32, #tpu.memory_space<vmem>> -> memref<1x128xi32, #tpu.memory_space<vmem>>
      %dma_start3A_476 = tpu.memref_squeeze %dma_start3A_475 : memref<1x128xi32, #tpu.memory_space<vmem>> -> memref<128xi32, #tpu.memory_space<vmem>>
      %dma_start3A_477 = arith.constant 0 : i32
      %dma_start3A_478 = arith.constant 0 : i32
      %dma_start3A_479 = tpu.memref_slice %arg3[%dma_start3A_477, %dma_start3A_478] : memref<1000000x32xf32, #tpu.memory_space<hbm>> -> memref<1000000x32xf32, #tpu.memory_space<hbm>>
      tpu.enqueue_indirect_dma source(%dma_start3A_479 : memref<1000000x32xf32, #tpu.memory_space<hbm>>) target(%dma_start3A_473 : memref<128x32xf32, #tpu.memory_space<vmem>>) offsets(%dma_start3A_476 : memref<128xi32, #tpu.memory_space<vmem>>) semaphore(%arg11 : memref<!tpu.dma_semaphore, #tpu.memory_space<semaphore_mem>>)
      %mul3A_480 = arith.constant 5 : i32
      %mul3A_481 = arith.muli %add3A_440, %mul3A_480 : i32
      %add3A_482 = arith.constant 3 : i32
      %add3A_483 = arith.addi %mul3A_481, %add3A_482 : i32
      %dma_start3A_484 = arith.constant 384 : i32
      %dma_start3A_485 = arith.constant 0 : i32
      %dma_start3A_486 = tpu.memref_slice %arg7[%dma_start3A_484, %dma_start3A_485] : memref<640x32xf32, #tpu.memory_space<vmem>> -> memref<128x32xf32, #tpu.memory_space<vmem>>
      %dma_start3A_487 = arith.constant 0 : i32
      %dma_start3A_488 = tpu.memref_slice %arg5[%add3A_483, %dma_start3A_487] : memref<200x128xi32, #tpu.memory_space<vmem>> -> memref<1x128xi32, #tpu.memory_space<vmem>>
      %dma_start3A_489 = tpu.memref_squeeze %dma_start3A_488 : memref<1x128xi32, #tpu.memory_space<vmem>> -> memref<128xi32, #tpu.memory_space<vmem>>
      %dma_start3A_490 = arith.constant 0 : i32
      %dma_start3A_491 = arith.constant 0 : i32
      %dma_start3A_492 = tpu.memref_slice %arg3[%dma_start3A_490, %dma_start3A_491] : memref<1000000x32xf32, #tpu.memory_space<hbm>> -> memref<1000000x32xf32, #tpu.memory_space<hbm>>
      tpu.enqueue_indirect_dma source(%dma_start3A_492 : memref<1000000x32xf32, #tpu.memory_space<hbm>>) target(%dma_start3A_486 : memref<128x32xf32, #tpu.memory_space<vmem>>) offsets(%dma_start3A_489 : memref<128xi32, #tpu.memory_space<vmem>>) semaphore(%arg11 : memref<!tpu.dma_semaphore, #tpu.memory_space<semaphore_mem>>)
      %mul3A_493 = arith.constant 5 : i32
      %mul3A_494 = arith.muli %add3A_440, %mul3A_493 : i32
      %add3A_495 = arith.constant 4 : i32
      %add3A_496 = arith.addi %mul3A_494, %add3A_495 : i32
      %dma_start3A_497 = arith.constant 512 : i32
      %dma_start3A_498 = arith.constant 0 : i32
      %dma_start3A_499 = tpu.memref_slice %arg7[%dma_start3A_497, %dma_start3A_498] : memref<640x32xf32, #tpu.memory_space<vmem>> -> memref<128x32xf32, #tpu.memory_space<vmem>>
      %dma_start3A_500 = arith.constant 0 : i32
      %dma_start3A_501 = tpu.memref_slice %arg5[%add3A_496, %dma_start3A_500] : memref<200x128xi32, #tpu.memory_space<vmem>> -> memref<1x128xi32, #tpu.memory_space<vmem>>
      %dma_start3A_502 = tpu.memref_squeeze %dma_start3A_501 : memref<1x128xi32, #tpu.memory_space<vmem>> -> memref<128xi32, #tpu.memory_space<vmem>>
      %dma_start3A_503 = arith.constant 0 : i32
      %dma_start3A_504 = arith.constant 0 : i32
      %dma_start3A_505 = tpu.memref_slice %arg3[%dma_start3A_503, %dma_start3A_504] : memref<1000000x32xf32, #tpu.memory_space<hbm>> -> memref<1000000x32xf32, #tpu.memory_space<hbm>>
      tpu.enqueue_indirect_dma source(%dma_start3A_505 : memref<1000000x32xf32, #tpu.memory_space<hbm>>) target(%dma_start3A_499 : memref<128x32xf32, #tpu.memory_space<vmem>>) offsets(%dma_start3A_502 : memref<128xi32, #tpu.memory_space<vmem>>) semaphore(%arg11 : memref<!tpu.dma_semaphore, #tpu.memory_space<semaphore_mem>>)
      %dma_wait3A_506 = arith.constant 0 : i32
      %dma_wait3A_507 = arith.constant 0 : i32
      %dma_wait3A_508 = tpu.memref_slice %arg3[%dma_wait3A_506, %dma_wait3A_507] : memref<1000000x32xf32, #tpu.memory_space<hbm>> -> memref<640x32xf32, #tpu.memory_space<hbm>>
      %dma_wait3A_509 = arith.constant 0 : i32
      %dma_wait3A_510 = arith.constant 0 : i32
      %dma_wait3A_511 = tpu.memref_slice %arg3[%dma_wait3A_509, %dma_wait3A_510] : memref<1000000x32xf32, #tpu.memory_space<hbm>> -> memref<640x32xf32, #tpu.memory_space<hbm>>
      tpu.wait_dma2 semaphore(%arg16 : memref<!tpu.dma_semaphore, #tpu.memory_space<semaphore_mem>>) src(%dma_wait3A_511 : memref<640x32xf32, #tpu.memory_space<hbm>>) dst(%arg8 : memref<640x32xf32, #tpu.memory_space<vmem>>)
      %add3A_512 = arith.constant 1 : i32
      %add3A_513 = arith.addi %add3A_283, %add3A_512 : i32
      %mul3A_514 = arith.constant 4 : i32
      %mul3A_515 = arith.muli %add3A_513, %mul3A_514 : i32
      %add3A_516 = arith.constant 2 : i32
      %add3A_517 = arith.addi %mul3A_515, %add3A_516 : i32
      %mul3A_518 = arith.constant 5 : i32
      %mul3A_519 = arith.muli %add3A_517, %mul3A_518 : i32
      %add3A_520 = arith.constant 0 : i32
      %add3A_521 = arith.addi %mul3A_519, %add3A_520 : i32
      %dma_start3A_522 = arith.constant 0 : i32
      %dma_start3A_523 = arith.constant 0 : i32
      %dma_start3A_524 = tpu.memref_slice %arg8[%dma_start3A_522, %dma_start3A_523] : memref<640x32xf32, #tpu.memory_space<vmem>> -> memref<128x32xf32, #tpu.memory_space<vmem>>
      %dma_start3A_525 = arith.constant 0 : i32
      %dma_start3A_526 = tpu.memref_slice %arg5[%add3A_521, %dma_start3A_525] : memref<200x128xi32, #tpu.memory_space<vmem>> -> memref<1x128xi32, #tpu.memory_space<vmem>>
      %dma_start3A_527 = tpu.memref_squeeze %dma_start3A_526 : memref<1x128xi32, #tpu.memory_space<vmem>> -> memref<128xi32, #tpu.memory_space<vmem>>
      %dma_start3A_528 = arith.constant 0 : i32
      %dma_start3A_529 = arith.constant 0 : i32
      %dma_start3A_530 = tpu.memref_slice %arg3[%dma_start3A_528, %dma_start3A_529] : memref<1000000x32xf32, #tpu.memory_space<hbm>> -> memref<1000000x32xf32, #tpu.memory_space<hbm>>
      tpu.enqueue_indirect_dma source(%dma_start3A_530 : memref<1000000x32xf32, #tpu.memory_space<hbm>>) target(%dma_start3A_524 : memref<128x32xf32, #tpu.memory_space<vmem>>) offsets(%dma_start3A_527 : memref<128xi32, #tpu.memory_space<vmem>>) semaphore(%arg12 : memref<!tpu.dma_semaphore, #tpu.memory_space<semaphore_mem>>)
      %mul3A_531 = arith.constant 5 : i32
      %mul3A_532 = arith.muli %add3A_517, %mul3A_531 : i32
      %add3A_533 = arith.constant 1 : i32
      %add3A_534 = arith.addi %mul3A_532, %add3A_533 : i32
      %dma_start3A_535 = arith.constant 128 : i32
      %dma_start3A_536 = arith.constant 0 : i32
      %dma_start3A_537 = tpu.memref_slice %arg8[%dma_start3A_535, %dma_start3A_536] : memref<640x32xf32, #tpu.memory_space<vmem>> -> memref<128x32xf32, #tpu.memory_space<vmem>>
      %dma_start3A_538 = arith.constant 0 : i32
      %dma_start3A_539 = tpu.memref_slice %arg5[%add3A_534, %dma_start3A_538] : memref<200x128xi32, #tpu.memory_space<vmem>> -> memref<1x128xi32, #tpu.memory_space<vmem>>
      %dma_start3A_540 = tpu.memref_squeeze %dma_start3A_539 : memref<1x128xi32, #tpu.memory_space<vmem>> -> memref<128xi32, #tpu.memory_space<vmem>>
      %dma_start3A_541 = arith.constant 0 : i32
      %dma_start3A_542 = arith.constant 0 : i32
      %dma_start3A_543 = tpu.memref_slice %arg3[%dma_start3A_541, %dma_start3A_542] : memref<1000000x32xf32, #tpu.memory_space<hbm>> -> memref<1000000x32xf32, #tpu.memory_space<hbm>>
      tpu.enqueue_indirect_dma source(%dma_start3A_543 : memref<1000000x32xf32, #tpu.memory_space<hbm>>) target(%dma_start3A_537 : memref<128x32xf32, #tpu.memory_space<vmem>>) offsets(%dma_start3A_540 : memref<128xi32, #tpu.memory_space<vmem>>) semaphore(%arg12 : memref<!tpu.dma_semaphore, #tpu.memory_space<semaphore_mem>>)
      %mul3A_544 = arith.constant 5 : i32
      %mul3A_545 = arith.muli %add3A_517, %mul3A_544 : i32
      %add3A_546 = arith.constant 2 : i32
      %add3A_547 = arith.addi %mul3A_545, %add3A_546 : i32
      %dma_start3A_548 = arith.constant 256 : i32
      %dma_start3A_549 = arith.constant 0 : i32
      %dma_start3A_550 = tpu.memref_slice %arg8[%dma_start3A_548, %dma_start3A_549] : memref<640x32xf32, #tpu.memory_space<vmem>> -> memref<128x32xf32, #tpu.memory_space<vmem>>
      %dma_start3A_551 = arith.constant 0 : i32
      %dma_start3A_552 = tpu.memref_slice %arg5[%add3A_547, %dma_start3A_551] : memref<200x128xi32, #tpu.memory_space<vmem>> -> memref<1x128xi32, #tpu.memory_space<vmem>>
      %dma_start3A_553 = tpu.memref_squeeze %dma_start3A_552 : memref<1x128xi32, #tpu.memory_space<vmem>> -> memref<128xi32, #tpu.memory_space<vmem>>
      %dma_start3A_554 = arith.constant 0 : i32
      %dma_start3A_555 = arith.constant 0 : i32
      %dma_start3A_556 = tpu.memref_slice %arg3[%dma_start3A_554, %dma_start3A_555] : memref<1000000x32xf32, #tpu.memory_space<hbm>> -> memref<1000000x32xf32, #tpu.memory_space<hbm>>
      tpu.enqueue_indirect_dma source(%dma_start3A_556 : memref<1000000x32xf32, #tpu.memory_space<hbm>>) target(%dma_start3A_550 : memref<128x32xf32, #tpu.memory_space<vmem>>) offsets(%dma_start3A_553 : memref<128xi32, #tpu.memory_space<vmem>>) semaphore(%arg12 : memref<!tpu.dma_semaphore, #tpu.memory_space<semaphore_mem>>)
      %mul3A_557 = arith.constant 5 : i32
      %mul3A_558 = arith.muli %add3A_517, %mul3A_557 : i32
      %add3A_559 = arith.constant 3 : i32
      %add3A_560 = arith.addi %mul3A_558, %add3A_559 : i32
      %dma_start3A_561 = arith.constant 384 : i32
      %dma_start3A_562 = arith.constant 0 : i32
      %dma_start3A_563 = tpu.memref_slice %arg8[%dma_start3A_561, %dma_start3A_562] : memref<640x32xf32, #tpu.memory_space<vmem>> -> memref<128x32xf32, #tpu.memory_space<vmem>>
      %dma_start3A_564 = arith.constant 0 : i32
      %dma_start3A_565 = tpu.memref_slice %arg5[%add3A_560, %dma_start3A_564] : memref<200x128xi32, #tpu.memory_space<vmem>> -> memref<1x128xi32, #tpu.memory_space<vmem>>
      %dma_start3A_566 = tpu.memref_squeeze %dma_start3A_565 : memref<1x128xi32, #tpu.memory_space<vmem>> -> memref<128xi32, #tpu.memory_space<vmem>>
      %dma_start3A_567 = arith.constant 0 : i32
      %dma_start3A_568 = arith.constant 0 : i32
      %dma_start3A_569 = tpu.memref_slice %arg3[%dma_start3A_567, %dma_start3A_568] : memref<1000000x32xf32, #tpu.memory_space<hbm>> -> memref<1000000x32xf32, #tpu.memory_space<hbm>>
      tpu.enqueue_indirect_dma source(%dma_start3A_569 : memref<1000000x32xf32, #tpu.memory_space<hbm>>) target(%dma_start3A_563 : memref<128x32xf32, #tpu.memory_space<vmem>>) offsets(%dma_start3A_566 : memref<128xi32, #tpu.memory_space<vmem>>) semaphore(%arg12 : memref<!tpu.dma_semaphore, #tpu.memory_space<semaphore_mem>>)
      %mul3A_570 = arith.constant 5 : i32
      %mul3A_571 = arith.muli %add3A_517, %mul3A_570 : i32
      %add3A_572 = arith.constant 4 : i32
      %add3A_573 = arith.addi %mul3A_571, %add3A_572 : i32
      %dma_start3A_574 = arith.constant 512 : i32
      %dma_start3A_575 = arith.constant 0 : i32
      %dma_start3A_576 = tpu.memref_slice %arg8[%dma_start3A_574, %dma_start3A_575] : memref<640x32xf32, #tpu.memory_space<vmem>> -> memref<128x32xf32, #tpu.memory_space<vmem>>
      %dma_start3A_577 = arith.constant 0 : i32
      %dma_start3A_578 = tpu.memref_slice %arg5[%add3A_573, %dma_start3A_577] : memref<200x128xi32, #tpu.memory_space<vmem>> -> memref<1x128xi32, #tpu.memory_space<vmem>>
      %dma_start3A_579 = tpu.memref_squeeze %dma_start3A_578 : memref<1x128xi32, #tpu.memory_space<vmem>> -> memref<128xi32, #tpu.memory_space<vmem>>
      %dma_start3A_580 = arith.constant 0 : i32
      %dma_start3A_581 = arith.constant 0 : i32
      %dma_start3A_582 = tpu.memref_slice %arg3[%dma_start3A_580, %dma_start3A_581] : memref<1000000x32xf32, #tpu.memory_space<hbm>> -> memref<1000000x32xf32, #tpu.memory_space<hbm>>
      tpu.enqueue_indirect_dma source(%dma_start3A_582 : memref<1000000x32xf32, #tpu.memory_space<hbm>>) target(%dma_start3A_576 : memref<128x32xf32, #tpu.memory_space<vmem>>) offsets(%dma_start3A_579 : memref<128xi32, #tpu.memory_space<vmem>>) semaphore(%arg12 : memref<!tpu.dma_semaphore, #tpu.memory_space<semaphore_mem>>)
      %dma_wait3A_583 = arith.constant 0 : i32
      %dma_wait3A_584 = arith.constant 0 : i32
      %dma_wait3A_585 = tpu.memref_slice %arg3[%dma_wait3A_583, %dma_wait3A_584] : memref<1000000x32xf32, #tpu.memory_space<hbm>> -> memref<640x32xf32, #tpu.memory_space<hbm>>
      %dma_wait3A_586 = arith.constant 0 : i32
      %dma_wait3A_587 = arith.constant 0 : i32
      %dma_wait3A_588 = tpu.memref_slice %arg3[%dma_wait3A_586, %dma_wait3A_587] : memref<1000000x32xf32, #tpu.memory_space<hbm>> -> memref<640x32xf32, #tpu.memory_space<hbm>>
      tpu.wait_dma2 semaphore(%arg17 : memref<!tpu.dma_semaphore, #tpu.memory_space<semaphore_mem>>) src(%dma_wait3A_588 : memref<640x32xf32, #tpu.memory_space<hbm>>) dst(%arg9 : memref<640x32xf32, #tpu.memory_space<vmem>>)
      %add3A_589 = arith.constant 1 : i32
      %add3A_590 = arith.addi %add3A_283, %add3A_589 : i32
      %mul3A_591 = arith.constant 4 : i32
      %mul3A_592 = arith.muli %add3A_590, %mul3A_591 : i32
      %add3A_593 = arith.constant 3 : i32
      %add3A_594 = arith.addi %mul3A_592, %add3A_593 : i32
      %mul3A_595 = arith.constant 5 : i32
      %mul3A_596 = arith.muli %add3A_594, %mul3A_595 : i32
      %add3A_597 = arith.constant 0 : i32
      %add3A_598 = arith.addi %mul3A_596, %add3A_597 : i32
      %dma_start3A_599 = arith.constant 0 : i32
      %dma_start3A_600 = arith.constant 0 : i32
      %dma_start3A_601 = tpu.memref_slice %arg9[%dma_start3A_599, %dma_start3A_600] : memref<640x32xf32, #tpu.memory_space<vmem>> -> memref<128x32xf32, #tpu.memory_space<vmem>>
      %dma_start3A_602 = arith.constant 0 : i32
      %dma_start3A_603 = tpu.memref_slice %arg5[%add3A_598, %dma_start3A_602] : memref<200x128xi32, #tpu.memory_space<vmem>> -> memref<1x128xi32, #tpu.memory_space<vmem>>
      %dma_start3A_604 = tpu.memref_squeeze %dma_start3A_603 : memref<1x128xi32, #tpu.memory_space<vmem>> -> memref<128xi32, #tpu.memory_space<vmem>>
      %dma_start3A_605 = arith.constant 0 : i32
      %dma_start3A_606 = arith.constant 0 : i32
      %dma_start3A_607 = tpu.memref_slice %arg3[%dma_start3A_605, %dma_start3A_606] : memref<1000000x32xf32, #tpu.memory_space<hbm>> -> memref<1000000x32xf32, #tpu.memory_space<hbm>>
      tpu.enqueue_indirect_dma source(%dma_start3A_607 : memref<1000000x32xf32, #tpu.memory_space<hbm>>) target(%dma_start3A_601 : memref<128x32xf32, #tpu.memory_space<vmem>>) offsets(%dma_start3A_604 : memref<128xi32, #tpu.memory_space<vmem>>) semaphore(%arg13 : memref<!tpu.dma_semaphore, #tpu.memory_space<semaphore_mem>>)
      %mul3A_608 = arith.constant 5 : i32
      %mul3A_609 = arith.muli %add3A_594, %mul3A_608 : i32
      %add3A_610 = arith.constant 1 : i32
      %add3A_611 = arith.addi %mul3A_609, %add3A_610 : i32
      %dma_start3A_612 = arith.constant 128 : i32
      %dma_start3A_613 = arith.constant 0 : i32
      %dma_start3A_614 = tpu.memref_slice %arg9[%dma_start3A_612, %dma_start3A_613] : memref<640x32xf32, #tpu.memory_space<vmem>> -> memref<128x32xf32, #tpu.memory_space<vmem>>
      %dma_start3A_615 = arith.constant 0 : i32
      %dma_start3A_616 = tpu.memref_slice %arg5[%add3A_611, %dma_start3A_615] : memref<200x128xi32, #tpu.memory_space<vmem>> -> memref<1x128xi32, #tpu.memory_space<vmem>>
      %dma_start3A_617 = tpu.memref_squeeze %dma_start3A_616 : memref<1x128xi32, #tpu.memory_space<vmem>> -> memref<128xi32, #tpu.memory_space<vmem>>
      %dma_start3A_618 = arith.constant 0 : i32
      %dma_start3A_619 = arith.constant 0 : i32
      %dma_start3A_620 = tpu.memref_slice %arg3[%dma_start3A_618, %dma_start3A_619] : memref<1000000x32xf32, #tpu.memory_space<hbm>> -> memref<1000000x32xf32, #tpu.memory_space<hbm>>
      tpu.enqueue_indirect_dma source(%dma_start3A_620 : memref<1000000x32xf32, #tpu.memory_space<hbm>>) target(%dma_start3A_614 : memref<128x32xf32, #tpu.memory_space<vmem>>) offsets(%dma_start3A_617 : memref<128xi32, #tpu.memory_space<vmem>>) semaphore(%arg13 : memref<!tpu.dma_semaphore, #tpu.memory_space<semaphore_mem>>)
      %mul3A_621 = arith.constant 5 : i32
      %mul3A_622 = arith.muli %add3A_594, %mul3A_621 : i32
      %add3A_623 = arith.constant 2 : i32
      %add3A_624 = arith.addi %mul3A_622, %add3A_623 : i32
      %dma_start3A_625 = arith.constant 256 : i32
      %dma_start3A_626 = arith.constant 0 : i32
      %dma_start3A_627 = tpu.memref_slice %arg9[%dma_start3A_625, %dma_start3A_626] : memref<640x32xf32, #tpu.memory_space<vmem>> -> memref<128x32xf32, #tpu.memory_space<vmem>>
      %dma_start3A_628 = arith.constant 0 : i32
      %dma_start3A_629 = tpu.memref_slice %arg5[%add3A_624, %dma_start3A_628] : memref<200x128xi32, #tpu.memory_space<vmem>> -> memref<1x128xi32, #tpu.memory_space<vmem>>
      %dma_start3A_630 = tpu.memref_squeeze %dma_start3A_629 : memref<1x128xi32, #tpu.memory_space<vmem>> -> memref<128xi32, #tpu.memory_space<vmem>>
      %dma_start3A_631 = arith.constant 0 : i32
      %dma_start3A_632 = arith.constant 0 : i32
      %dma_start3A_633 = tpu.memref_slice %arg3[%dma_start3A_631, %dma_start3A_632] : memref<1000000x32xf32, #tpu.memory_space<hbm>> -> memref<1000000x32xf32, #tpu.memory_space<hbm>>
      tpu.enqueue_indirect_dma source(%dma_start3A_633 : memref<1000000x32xf32, #tpu.memory_space<hbm>>) target(%dma_start3A_627 : memref<128x32xf32, #tpu.memory_space<vmem>>) offsets(%dma_start3A_630 : memref<128xi32, #tpu.memory_space<vmem>>) semaphore(%arg13 : memref<!tpu.dma_semaphore, #tpu.memory_space<semaphore_mem>>)
      %mul3A_634 = arith.constant 5 : i32
      %mul3A_635 = arith.muli %add3A_594, %mul3A_634 : i32
      %add3A_636 = arith.constant 3 : i32
      %add3A_637 = arith.addi %mul3A_635, %add3A_636 : i32
      %dma_start3A_638 = arith.constant 384 : i32
      %dma_start3A_639 = arith.constant 0 : i32
      %dma_start3A_640 = tpu.memref_slice %arg9[%dma_start3A_638, %dma_start3A_639] : memref<640x32xf32, #tpu.memory_space<vmem>> -> memref<128x32xf32, #tpu.memory_space<vmem>>
      %dma_start3A_641 = arith.constant 0 : i32
      %dma_start3A_642 = tpu.memref_slice %arg5[%add3A_637, %dma_start3A_641] : memref<200x128xi32, #tpu.memory_space<vmem>> -> memref<1x128xi32, #tpu.memory_space<vmem>>
      %dma_start3A_643 = tpu.memref_squeeze %dma_start3A_642 : memref<1x128xi32, #tpu.memory_space<vmem>> -> memref<128xi32, #tpu.memory_space<vmem>>
      %dma_start3A_644 = arith.constant 0 : i32
      %dma_start3A_645 = arith.constant 0 : i32
      %dma_start3A_646 = tpu.memref_slice %arg3[%dma_start3A_644, %dma_start3A_645] : memref<1000000x32xf32, #tpu.memory_space<hbm>> -> memref<1000000x32xf32, #tpu.memory_space<hbm>>
      tpu.enqueue_indirect_dma source(%dma_start3A_646 : memref<1000000x32xf32, #tpu.memory_space<hbm>>) target(%dma_start3A_640 : memref<128x32xf32, #tpu.memory_space<vmem>>) offsets(%dma_start3A_643 : memref<128xi32, #tpu.memory_space<vmem>>) semaphore(%arg13 : memref<!tpu.dma_semaphore, #tpu.memory_space<semaphore_mem>>)
      %mul3A_647 = arith.constant 5 : i32
      %mul3A_648 = arith.muli %add3A_594, %mul3A_647 : i32
      %add3A_649 = arith.constant 4 : i32
      %add3A_650 = arith.addi %mul3A_648, %add3A_649 : i32
      %dma_start3A_651 = arith.constant 512 : i32
      %dma_start3A_652 = arith.constant 0 : i32
      %dma_start3A_653 = tpu.memref_slice %arg9[%dma_start3A_651, %dma_start3A_652] : memref<640x32xf32, #tpu.memory_space<vmem>> -> memref<128x32xf32, #tpu.memory_space<vmem>>
      %dma_start3A_654 = arith.constant 0 : i32
      %dma_start3A_655 = tpu.memref_slice %arg5[%add3A_650, %dma_start3A_654] : memref<200x128xi32, #tpu.memory_space<vmem>> -> memref<1x128xi32, #tpu.memory_space<vmem>>
      %dma_start3A_656 = tpu.memref_squeeze %dma_start3A_655 : memref<1x128xi32, #tpu.memory_space<vmem>> -> memref<128xi32, #tpu.memory_space<vmem>>
      %dma_start3A_657 = arith.constant 0 : i32
      %dma_start3A_658 = arith.constant 0 : i32
      %dma_start3A_659 = tpu.memref_slice %arg3[%dma_start3A_657, %dma_start3A_658] : memref<1000000x32xf32, #tpu.memory_space<hbm>> -> memref<1000000x32xf32, #tpu.memory_space<hbm>>
      tpu.enqueue_indirect_dma source(%dma_start3A_659 : memref<1000000x32xf32, #tpu.memory_space<hbm>>) target(%dma_start3A_653 : memref<128x32xf32, #tpu.memory_space<vmem>>) offsets(%dma_start3A_656 : memref<128xi32, #tpu.memory_space<vmem>>) semaphore(%arg13 : memref<!tpu.dma_semaphore, #tpu.memory_space<semaphore_mem>>)
    }
    %scan3A_207 = arith.constant 9 : i32
    %dma_wait3A = arith.constant 0 : i32
    %dma_wait3A_208 = arith.constant 0 : i32
    %dma_wait3A_209 = tpu.memref_slice %arg3[%dma_wait3A, %dma_wait3A_208] : memref<1000000x32xf32, #tpu.memory_space<hbm>> -> memref<640x32xf32, #tpu.memory_space<hbm>>
    %dma_wait3A_210 = arith.constant 0 : i32
    %dma_wait3A_211 = arith.constant 0 : i32
    %dma_wait3A_212 = tpu.memref_slice %arg3[%dma_wait3A_210, %dma_wait3A_211] : memref<1000000x32xf32, #tpu.memory_space<hbm>> -> memref<640x32xf32, #tpu.memory_space<hbm>>
    tpu.wait_dma2 semaphore(%arg10 : memref<!tpu.dma_semaphore, #tpu.memory_space<semaphore_mem>>) src(%dma_wait3A_212 : memref<640x32xf32, #tpu.memory_space<hbm>>) dst(%arg6 : memref<640x32xf32, #tpu.memory_space<vmem>>)
    %add3A_213 = arith.constant 23040 : i32
    %add3A_214 = arith.addi %mul3A_2, %add3A_213 : i32
    %dma_start3A_215 = arith.constant 0 : i32
    %dma_start3A_216 = tpu.memref_slice %arg4[%add3A_214, %dma_start3A_215] : memref<819200x32xf32, #tpu.memory_space<hbm>> -> memref<640x32xf32, #tpu.memory_space<hbm>>
    %dma_start3A_217 = arith.constant 0 : i32
    %dma_start3A_218 = tpu.memref_slice %arg4[%add3A_214, %dma_start3A_217] : memref<819200x32xf32, #tpu.memory_space<hbm>> -> memref<640x32xf32, #tpu.memory_space<hbm>>
    tpu.enqueue_dma source(%arg6 : memref<640x32xf32, #tpu.memory_space<vmem>>) target(%dma_start3A_218 : memref<640x32xf32, #tpu.memory_space<hbm>>) target_semaphore(%arg14 : memref<!tpu.dma_semaphore, #tpu.memory_space<semaphore_mem>>)
    %dma_wait3A_219 = arith.constant 0 : i32
    %dma_wait3A_220 = arith.constant 0 : i32
    %dma_wait3A_221 = tpu.memref_slice %arg3[%dma_wait3A_219, %dma_wait3A_220] : memref<1000000x32xf32, #tpu.memory_space<hbm>> -> memref<640x32xf32, #tpu.memory_space<hbm>>
    %dma_wait3A_222 = arith.constant 0 : i32
    %dma_wait3A_223 = arith.constant 0 : i32
    %dma_wait3A_224 = tpu.memref_slice %arg3[%dma_wait3A_222, %dma_wait3A_223] : memref<1000000x32xf32, #tpu.memory_space<hbm>> -> memref<640x32xf32, #tpu.memory_space<hbm>>
    tpu.wait_dma2 semaphore(%arg11 : memref<!tpu.dma_semaphore, #tpu.memory_space<semaphore_mem>>) src(%dma_wait3A_224 : memref<640x32xf32, #tpu.memory_space<hbm>>) dst(%arg7 : memref<640x32xf32, #tpu.memory_space<vmem>>)
    %add3A_225 = arith.constant 23680 : i32
    %add3A_226 = arith.addi %mul3A_2, %add3A_225 : i32
    %dma_start3A_227 = arith.constant 0 : i32
    %dma_start3A_228 = tpu.memref_slice %arg4[%add3A_226, %dma_start3A_227] : memref<819200x32xf32, #tpu.memory_space<hbm>> -> memref<640x32xf32, #tpu.memory_space<hbm>>
    %dma_start3A_229 = arith.constant 0 : i32
    %dma_start3A_230 = tpu.memref_slice %arg4[%add3A_226, %dma_start3A_229] : memref<819200x32xf32, #tpu.memory_space<hbm>> -> memref<640x32xf32, #tpu.memory_space<hbm>>
    tpu.enqueue_dma source(%arg7 : memref<640x32xf32, #tpu.memory_space<vmem>>) target(%dma_start3A_230 : memref<640x32xf32, #tpu.memory_space<hbm>>) target_semaphore(%arg15 : memref<!tpu.dma_semaphore, #tpu.memory_space<semaphore_mem>>)
    %dma_wait3A_231 = arith.constant 0 : i32
    %dma_wait3A_232 = arith.constant 0 : i32
    %dma_wait3A_233 = tpu.memref_slice %arg3[%dma_wait3A_231, %dma_wait3A_232] : memref<1000000x32xf32, #tpu.memory_space<hbm>> -> memref<640x32xf32, #tpu.memory_space<hbm>>
    %dma_wait3A_234 = arith.constant 0 : i32
    %dma_wait3A_235 = arith.constant 0 : i32
    %dma_wait3A_236 = tpu.memref_slice %arg3[%dma_wait3A_234, %dma_wait3A_235] : memref<1000000x32xf32, #tpu.memory_space<hbm>> -> memref<640x32xf32, #tpu.memory_space<hbm>>
    tpu.wait_dma2 semaphore(%arg12 : memref<!tpu.dma_semaphore, #tpu.memory_space<semaphore_mem>>) src(%dma_wait3A_236 : memref<640x32xf32, #tpu.memory_space<hbm>>) dst(%arg8 : memref<640x32xf32, #tpu.memory_space<vmem>>)
    %add3A_237 = arith.constant 24320 : i32
    %add3A_238 = arith.addi %mul3A_2, %add3A_237 : i32
    %dma_start3A_239 = arith.constant 0 : i32
    %dma_start3A_240 = tpu.memref_slice %arg4[%add3A_238, %dma_start3A_239] : memref<819200x32xf32, #tpu.memory_space<hbm>> -> memref<640x32xf32, #tpu.memory_space<hbm>>
    %dma_start3A_241 = arith.constant 0 : i32
    %dma_start3A_242 = tpu.memref_slice %arg4[%add3A_238, %dma_start3A_241] : memref<819200x32xf32, #tpu.memory_space<hbm>> -> memref<640x32xf32, #tpu.memory_space<hbm>>
    tpu.enqueue_dma source(%arg8 : memref<640x32xf32, #tpu.memory_space<vmem>>) target(%dma_start3A_242 : memref<640x32xf32, #tpu.memory_space<hbm>>) target_semaphore(%arg16 : memref<!tpu.dma_semaphore, #tpu.memory_space<semaphore_mem>>)
    %dma_wait3A_243 = arith.constant 0 : i32
    %dma_wait3A_244 = arith.constant 0 : i32
    %dma_wait3A_245 = tpu.memref_slice %arg3[%dma_wait3A_243, %dma_wait3A_244] : memref<1000000x32xf32, #tpu.memory_space<hbm>> -> memref<640x32xf32, #tpu.memory_space<hbm>>
    %dma_wait3A_246 = arith.constant 0 : i32
    %dma_wait3A_247 = arith.constant 0 : i32
    %dma_wait3A_248 = tpu.memref_slice %arg3[%dma_wait3A_246, %dma_wait3A_247] : memref<1000000x32xf32, #tpu.memory_space<hbm>> -> memref<640x32xf32, #tpu.memory_space<hbm>>
    tpu.wait_dma2 semaphore(%arg13 : memref<!tpu.dma_semaphore, #tpu.memory_space<semaphore_mem>>) src(%dma_wait3A_248 : memref<640x32xf32, #tpu.memory_space<hbm>>) dst(%arg9 : memref<640x32xf32, #tpu.memory_space<vmem>>)
    %add3A_249 = arith.constant 24960 : i32
    %add3A_250 = arith.addi %mul3A_2, %add3A_249 : i32
    %dma_start3A_251 = arith.constant 0 : i32
    %dma_start3A_252 = tpu.memref_slice %arg4[%add3A_250, %dma_start3A_251] : memref<819200x32xf32, #tpu.memory_space<hbm>> -> memref<640x32xf32, #tpu.memory_space<hbm>>
    %dma_start3A_253 = arith.constant 0 : i32
    %dma_start3A_254 = tpu.memref_slice %arg4[%add3A_250, %dma_start3A_253] : memref<819200x32xf32, #tpu.memory_space<hbm>> -> memref<640x32xf32, #tpu.memory_space<hbm>>
    tpu.enqueue_dma source(%arg9 : memref<640x32xf32, #tpu.memory_space<vmem>>) target(%dma_start3A_254 : memref<640x32xf32, #tpu.memory_space<hbm>>) target_semaphore(%arg17 : memref<!tpu.dma_semaphore, #tpu.memory_space<semaphore_mem>>)
    %dma_wait3A_255 = arith.constant 0 : i32
    %dma_wait3A_256 = arith.constant 0 : i32
    %dma_wait3A_257 = tpu.memref_slice %arg3[%dma_wait3A_255, %dma_wait3A_256] : memref<1000000x32xf32, #tpu.memory_space<hbm>> -> memref<640x32xf32, #tpu.memory_space<hbm>>
    %dma_wait3A_258 = arith.constant 0 : i32
    %dma_wait3A_259 = arith.constant 0 : i32
    %dma_wait3A_260 = tpu.memref_slice %arg3[%dma_wait3A_258, %dma_wait3A_259] : memref<1000000x32xf32, #tpu.memory_space<hbm>> -> memref<640x32xf32, #tpu.memory_space<hbm>>
    tpu.wait_dma2 semaphore(%arg14 : memref<!tpu.dma_semaphore, #tpu.memory_space<semaphore_mem>>) src(%dma_wait3A_260 : memref<640x32xf32, #tpu.memory_space<hbm>>) dst(%arg6 : memref<640x32xf32, #tpu.memory_space<vmem>>)
    %dma_wait3A_261 = arith.constant 0 : i32
    %dma_wait3A_262 = arith.constant 0 : i32
    %dma_wait3A_263 = tpu.memref_slice %arg3[%dma_wait3A_261, %dma_wait3A_262] : memref<1000000x32xf32, #tpu.memory_space<hbm>> -> memref<640x32xf32, #tpu.memory_space<hbm>>
    %dma_wait3A_264 = arith.constant 0 : i32
    %dma_wait3A_265 = arith.constant 0 : i32
    %dma_wait3A_266 = tpu.memref_slice %arg3[%dma_wait3A_264, %dma_wait3A_265] : memref<1000000x32xf32, #tpu.memory_space<hbm>> -> memref<640x32xf32, #tpu.memory_space<hbm>>
    tpu.wait_dma2 semaphore(%arg15 : memref<!tpu.dma_semaphore, #tpu.memory_space<semaphore_mem>>) src(%dma_wait3A_266 : memref<640x32xf32, #tpu.memory_space<hbm>>) dst(%arg7 : memref<640x32xf32, #tpu.memory_space<vmem>>)
    %dma_wait3A_267 = arith.constant 0 : i32
    %dma_wait3A_268 = arith.constant 0 : i32
    %dma_wait3A_269 = tpu.memref_slice %arg3[%dma_wait3A_267, %dma_wait3A_268] : memref<1000000x32xf32, #tpu.memory_space<hbm>> -> memref<640x32xf32, #tpu.memory_space<hbm>>
    %dma_wait3A_270 = arith.constant 0 : i32
    %dma_wait3A_271 = arith.constant 0 : i32
    %dma_wait3A_272 = tpu.memref_slice %arg3[%dma_wait3A_270, %dma_wait3A_271] : memref<1000000x32xf32, #tpu.memory_space<hbm>> -> memref<640x32xf32, #tpu.memory_space<hbm>>
    tpu.wait_dma2 semaphore(%arg16 : memref<!tpu.dma_semaphore, #tpu.memory_space<semaphore_mem>>) src(%dma_wait3A_272 : memref<640x32xf32, #tpu.memory_space<hbm>>) dst(%arg8 : memref<640x32xf32, #tpu.memory_space<vmem>>)
    %dma_wait3A_273 = arith.constant 0 : i32
    %dma_wait3A_274 = arith.constant 0 : i32
    %dma_wait3A_275 = tpu.memref_slice %arg3[%dma_wait3A_273, %dma_wait3A_274] : memref<1000000x32xf32, #tpu.memory_space<hbm>> -> memref<640x32xf32, #tpu.memory_space<hbm>>
    %dma_wait3A_276 = arith.constant 0 : i32
    %dma_wait3A_277 = arith.constant 0 : i32
    %dma_wait3A_278 = tpu.memref_slice %arg3[%dma_wait3A_276, %dma_wait3A_277] : memref<1000000x32xf32, #tpu.memory_space<hbm>> -> memref<640x32xf32, #tpu.memory_space<hbm>>
    tpu.wait_dma2 semaphore(%arg17 : memref<!tpu.dma_semaphore, #tpu.memory_space<semaphore_mem>>) src(%dma_wait3A_278 : memref<640x32xf32, #tpu.memory_space<hbm>>) dst(%arg9 : memref<640x32xf32, #tpu.memory_space<vmem>>)
    return
  }
}

</mosaic_0001>

<sc_bundles>
// kernel: kernel.3.cloned.1.call-start
scs
__scs_entry_jumppad:
0x0: {  	(pc) =	sbr.rel $0x88, $3  }
0x1: {  	(tag) =	ssettag $0x0;
	lr =	simm.s32 $0x1  }
0x2: {  	[smem:$0x3F9F] =	sst lr;
	_ =	strace $0xD0000000  }
0x3: {  	_ = 	snop  }
0x4: {  	_ = 	snop  }
0x5: {  	_ = 	snop  }
0x6: {  	_ = 	snop  }
0x7: {  	_ = 	snop  }
__scs_overlays_trampoline_lowered:
0x8: {  	[smem:$0x3FAE] =	sst s0  }
0x9: {  	[smem:$0x3FAF] =	sst s1  }
0xa: {  	[smem:$0x3FB0] =	sst s2  }
0xb: {  	[smem:$0x3FB1] =	sst s3  }
0xc: {  	[smem:$0x3FB2] =	sst s4  }
0xd: {  	[smem:$0x3FB3] =	sst s5  }
0xe: {  	[smem:$0x3FB4] =	sst s6  }
0xf: {  	[smem:$0x3FB5] =	sst s7  }
0x10: {  	[smem:$0x3FB6] =	sst s8  }
0x11: {  	[smem:$0x3FB7] =	sst s9;
	s0 =	simm.s32 @!p0 $0x0  }
0x12: {  	s1 =	sld [smem:$0x3F9D];
	s0 =	simm.s32 @p0 $0x1  }
0x13: {  	[smem:$0x3FB8] =	sst s0;
	s0 =	simm.s32 @!p1 $0x0  }
0x14: {  	s2 =	sld [smem:$0x3F9C];
	s0 =	simm.s32 @p1 $0x1  }
0x15: {  	[smem:$0x3FB9] =	sst s0;
	s0 =	simm.s32 @!p2 $0x0  }
0x16: {  	s3 =	sld [smem:$0x3FDB];
	s0 =	simm.s32 @p2 $0x1  }
0x17: {  	s4 =	simm.s32 $0x1BF5;
	[smem:$0x3FBB] =	sst s0  }
0x18: {  	s0 =	sld [smem:$0x3F9E];
	_ =	swait.ge [sflag:s4], $0x0  }
0x19: {  	s7 =	sld [smem:$0x3F9F]  }
0x1a: {  	s8 =	sadd.s32 $0xFFFFE003, lr  }
0x1b: {  	s9 =	sadd.s32 $0xFFFFFEF7, lr;
	s5 =	simm.s32 $0xFFFFFFFF;
	p2 =	slt.u32 s8, $0xFFFFF086  }
0x1c: {  	p1 =	slt.u32 s9, $0xF7A;
	s5 =	simm.s32 @!p2 $0x0  }
0x1d: {  	s5 =	simm.s32 @p1 $0x1;
	p0 =	seq.s32 s7, s2  }
0x1e: {  	s7 =	smul.u32 @!p0 $0xF7A, s2;
	p2 =	seq.s32 @!p0 s5, $0x0  }
0x1f: {  	s9 =	smul.u32 $0xF7A, s1;
	s8 =	simm.s32 @!p0 $0x1BF5;
	p2 =	por !p2, p0  }
0x20: {  	[sflag:s8] =	ssyncset.s32 @!p0 $0xFFFFF086;
	s6 =	sadd.s32 @!p0 s3, s7;
	s7 =	simm.s32 @!p0 $0x108  }
0x21: {  	s3 =	sadd.s32 s3, s9;
	s6 =	sadd.s32 @!p0 $0x88, s6;
	s7 =	simm.s32 @p2 $0x1082  }
0x22: {  	[simem:s7], [sflag:s8] =	dma.local @!p0 [hbm:s6], $0xF7A  }
0x23: {  	s9 =	sor.u32 $0xD0000000, s2;
	s6 =	simm.s32 $0x108;
	_ =	swait.ge @!p0 [sflag:s8], $0x0  }
0x24: {  	s3 =	sadd.s32 $0x88, s3;
	s6 =	simm.s32 @!p1 $0x1082;
	[sflag:s4] =	ssyncset.s32 $0xFFFFF086  }
0x25: {  	[simem:s6], [sflag:s4] =	dma.local [hbm:s3], $0xF7A  }
0x26: {  	[smem:$0x3F9F] =	sst s1;
	(tag) =	ssettag s2;
	_ =	strace s9  }
0x27: {  	s1 =	sld [smem:$0x3FAF]  }
0x28: {  	s2 =	sld [smem:$0x3FB0]  }
0x29: {  	s4 =	sld [smem:$0x3FB2]  }
0x2a: {  	p0 =	seq.s32 s5, $0x0;
	s5 =	sld [smem:$0x3FB3]  }
0x2b: {  	s6 =	sld [smem:$0x3FB4]  }
0x2c: {  	s7 =	sld [smem:$0x3FB5]  }
0x2d: {  	s3 =	simm.s32 $0x108;
	s8 =	sld [smem:$0x3FB6]  }
0x2e: {  	s3 =	simm.s32 @!p0 $0x1082;
	s9 =	sld [smem:$0x3FB7]  }
0x2f: {  	lr =	sadd.s32 s0, s3;
	s0 =	sld [smem:$0x3FAE]  }
0x30: {  	s3 =	sld [smem:$0x3FB1]  }
0x31: {  	[smem:$0x3FBA] =	sst s10  }
0x32: {  	s10 =	sld [smem:$0x3FB8];
	_ =	sdelay $0x3  }
0x33: {  	p0 =	seq.s32 s10, $0x1;
	s10 =	sld [smem:$0x3FBA];
	_ =	sdelay $0x3  }
0x34: {  	[smem:$0x3FBA] =	sst s10  }
0x35: {  	s10 =	sld [smem:$0x3FB9];
	_ =	sdelay $0x3  }
0x36: {  	p1 =	seq.s32 s10, $0x1;
	s10 =	sld [smem:$0x3FBA];
	_ =	sdelay $0x3  }
0x37: {  	[smem:$0x3FBA] =	sst s10  }
0x38: {  	s10 =	sld [smem:$0x3FBB]  }
0x39: {  	_ = 	snop;
	(pc) =	sbr.ind lr, $3  }
0x3a: {  	_ = 	snop  }
0x3b: {  	_ = 	snop  }
0x3c: {  	p2 =	seq.s32 s10, $0x1;
	s10 =	sld [smem:$0x3FBA]  }
0x3d: {  	_ =	shalt  }
0x3e: {  	_ =	shalt  }
0x3f: {  	_ =	shalt  }
0x40: {  	_ =	shalt  }
0x41: {  	_ =	shalt  }
0x42: {  	_ =	shalt  }
0x43: {  	_ =	shalt  }
0x44: {  	_ =	shalt  }
0x45: {  	_ =	shalt  }
0x46: {  	_ =	shalt  }
0x47: {  	_ =	shalt  }
0x48: {  	_ =	shalt  }
0x49: {  	_ =	shalt  }
0x4a: {  	_ =	shalt  }
0x4b: {  	_ =	shalt  }
0x4c: {  	_ =	shalt  }
0x4d: {  	_ =	shalt  }
0x4e: {  	_ =	shalt  }
0x4f: {  	_ =	shalt  }
0x50: {  	_ =	shalt  }
0x51: {  	_ =	shalt  }
0x52: {  	_ =	shalt  }
0x53: {  	_ =	shalt  }
0x54: {  	_ =	shalt  }
0x55: {  	_ =	shalt  }
0x56: {  	_ =	shalt  }
0x57: {  	_ =	shalt  }
0x58: {  	_ =	shalt  }
0x59: {  	_ =	shalt  }
0x5a: {  	_ =	shalt  }
0x5b: {  	_ =	shalt  }
0x5c: {  	_ =	shalt  }
0x5d: {  	_ =	shalt  }
0x5e: {  	_ =	shalt  }
0x5f: {  	_ =	shalt  }
0x60: {  	_ =	shalt  }
0x61: {  	_ =	shalt  }
0x62: {  	_ =	shalt  }
0x63: {  	_ =	shalt  }
0x64: {  	_ =	shalt  }
0x65: {  	_ =	shalt  }
0x66: {  	_ =	shalt  }
0x67: {  	_ =	shalt  }
0x68: {  	_ =	shalt  }
0x69: {  	_ =	shalt  }
0x6a: {  	_ =	shalt  }
0x6b: {  	_ =	shalt  }
0x6c: {  	_ =	shalt  }
0x6d: {  	_ =	shalt  }
0x6e: {  	_ =	shalt  }
0x6f: {  	_ =	shalt  }
0x70: {  	_ =	shalt  }
0x71: {  	_ =	shalt  }
0x72: {  	_ =	shalt  }
0x73: {  	_ =	shalt  }
0x74: {  	_ =	shalt  }
0x75: {  	_ =	shalt  }
0x76: {  	_ =	shalt  }
0x77: {  	_ =	shalt  }
0x78: {  	_ =	shalt  }
0x79: {  	_ =	shalt  }
0x7a: {  	_ =	shalt  }
0x7b: {  	_ =	shalt  }
0x7c: {  	_ =	shalt  }
0x7d: {  	_ =	shalt  }
0x7e: {  	_ =	shalt  }
0x7f: {  	_ =	shalt  }
0x80: {  	_ =	shalt  }
0x81: {  	_ =	shalt  }
0x82: {  	_ =	shalt  }
0x83: {  	_ =	shalt  }
0x84: {  	_ =	shalt  }
0x85: {  	_ =	shalt  }
0x86: {  	_ =	shalt  }
0x87: {  	_ =	shalt  }
.Lfunc_end0:
.L_simem_size_0:
called_computation.1_lowered:
.L_overlay_start_0:
0x88: {  	s2 =	sld [smem:$0x3FD9]  }
0x89: {  	s3 =	sld [smem:$0x3FFE];
	_ =	sdelay $0x1  }
0x8a: {  	s1 =	srdreg.scid  }
0x8b: {  	s0 =	sand.u32 $0x1, s1  }
0x8c: {  	s17 =	sshll.u32 s0, $0xA;
	s2 =	sadd.s32 s3, s2  }
0x8d: {  	s2 =	sadd.s32 s2, s17  }
0x8e: {  	[smem:$0x3FC6] =	sst s2  }
0x8f: {  	_ = 	snop  }
0x90: {  	s2 =	sld [smem:$0x3FD0];
	(tm) =	ssettm $0x1  }
0x91: {  	s18 =	sld [smem:$0x3FFB];
	_ =	sdelay $0x3  }
0x92: {  	_ =	strace s18  }
0x93: {  	s3 =	sld [smem:$0x3FFC];
	_ =	sdelay $0x3  }
0x94: {  	_ =	strace s3  }
0x95: {  	s3 =	sld [smem:$0x3FFD];
	_ =	sdelay $0x3  }
0x96: {  	_ =	strace s3  }
0x97: {  	_ =	strace $0x8FFFFFFF  }
0x98: {  	s19 =	sld [smem:$0x3FDB];
	_ =	sdelay $0x1  }
0x99: {  	s4 =	simm.s32 $_scs_section_size  }
0x9a: {  	s5 =	simm.s32 $_size__tile_overlayer_lowered;
	s6 =	simm.s32 $_tile_overlayer_lowered  }
0x9b: {  	s22 =	simm.s32 $0x1BFF;
	s21 =	sshll.u32 s6, $0x1;
	s3 =	sadd.s32 s4, s19  }
0x9c: {  	s7 =	simm.s32 $0x0;
	s20 =	sshll.u32 s5, $0x1;
	s5 =	sadd.s32 s21, s3  }
0x9d: {  	[timem:s7], [sflag:s22] =	dma.local [hbm:s5], s20  }
0x9e: {  	_ =	swait.ge [sflag:s22], s20  }
0x9f: {  	s4 =	ssub.s32 $0x0, s20;
	[sflag:s22] =	ssyncset.done $0x0  }
0xa0: {  	[sflag:s22] =	ssyncadd.s32 s4;
	_ =	sdelay $0x1  }
0xa1: {  	s23 =	simm.s32 $0x1B8B  }
0xa2: {  	_ =	swait.ge [sflag:s23], $0x1  }
0xa3: {  	[sflag:s23] =	ssyncset.done $0x0  }
0xa4: {  	s25 =	simm.s32 $0x1B8E;
	s24 =	sld [smem:$0x3FFE];
	[sflag:s23] =	ssyncadd.s32 $0xFFFFFFFF  }
0xa5: {  	s26 =	simm.s32 $execute0_lowered;
	[smem:$0x3FD2] =	sst s25  }
0xa6: {  	s5 =	sshll.u32 s26, $0x1;
	_ =	strace $0x80000046;
	[dreg:$0x1] =	wrdreg $0xFFFFFFFF  }
0xa7: {  	s28 =	simm.s32 $_size_execute0_lowered;
	s3 =	sadd.s32 s3, s5;
	[dreg:$0x0] =	wrdreg $0x0  }
0xa8: {  	s5 =	sshll.u32 s28, $0x1;
	[dreg:$0x2] =	wrdreg s3  }
0xa9: {  	[dreg:$0x3] =	wrdreg s5  }
0xaa: {  	[dreg:$0x4] =	wrdreg $0xC0  }
0xab: {  	_ =	task [dreg:s7], $0x5FFFF  }
0xac: {  	[dreg:$0x1] =	wrdreg $0xFFFFFFFF  }
0xad: {  	[dreg:$0x0] =	wrdreg $0x60  }
0xae: {  	[dreg:$0x2] =	wrdreg s24  }
0xaf: {  	[dreg:$0x3] =	wrdreg s2  }
0xb0: {  	[dreg:$0x4] =	wrdreg $0x9  }
0xb1: {  	_ =	task.clear_ibuf [dreg:s7], $0x5FFFF;
	_ =	strace $0x90000046  }
0xb2: {  	s29 =	simm.s32 $0x9;
	_ =	strace $0x80000048  }
0xb3: {  	_ =	swait.ge [sflag:s29], $0x1  }
0xb4: {  	[sflag:s29] =	ssyncadd.s32 $0xFFFFFFFF  }
0xb5: {  	_ =	strace $0x90000048  }
0xb6: {  	_ =	sfence  }
0xb7: {  	s30 =	sld [smem:$0x0];
	_ =	sdelay $0x2  }
0xb8: {  	s31 =	sshll.u32 s1, $0xD;
	s1 =	sshrl.u32 s1, $0x2  }
0xb9: {  	s3 =	sand.u32 $0x4000, s31;
	s1 =	sadd.s32 s1, s30  }
0xba: {  	s0 =	sor.u32 s3, s0;
	s1 =	sshll.u32 s1, $0x11  }
0xbb: {  	s0 =	sor.u32 s1, s0  }
0xbc: {  	s0 =	sadd.s32 $0x8F2B, s0  }
0xbd: {  	[sflag:s0] =	ssyncadd.remote.s32 $0x1  }
0xbe: {  	_ =	sfence.sel $0xFFFF  }
0xbf: {  	[dreg:$0x0] =	wrdreg $0xFFFFFFFF;
	(pc) =	sbr.abs _section_cstart, $3  }
0xc0: {  	[dreg:$0x1] =	wrdreg $0xFFFFFFFF  }
0xc1: {  	_ =	task.clear_ibuf [dreg:s7], $0x2FFFF;
	_ =	strace $0x9FFFFFFF  }
0xc2: {  	(tm) =	ssettm $0x7FFFFFFF  }
0xc3: {  	_ =	shalt  }
tec
execute0_lowered:
.L_overlay_start_1:
0x0: {  	(tag) =	ssettag $0x1  }
0x1: {  	s0 =	srdreg.scid  }
0x2: {  	s10 =	stileid.u32;
	s3 =	rddreg [dreg:$0x0]  }
0x3: {  	s4 =	rddreg [dreg:$0x1];
	s2 =	simm.s32 $0x0;
	s11 =	simm.s32 $0x80  }
0x4: {  	s12 =	simm.s32 $0x6400;
	s15 =	simm.s32 $0x7400;
	s17 =	simm.s32 $0x8400  }
0x5: {  	s14 =	simm.s32 $0xD400;
	s18 =	simm.s32 $0xE400;
	s16 =	simm.s32 $0x12400  }
0x6: {  	s31 =	simm.s32 $0x15400;
	s29 =	simm.s32 $0x17400;
	s6 =	smul.u32 $0xC800, s10  }
0x7: {  	s30 =	simm.s32 $0x18400;
	s0 =	sand.u32 $0x1, s0;
	s24 =	smul.u32 $0x32000, s10  }
0x8: {  	s28 =	simm.s32 $0x0;
	s1 =	sshll.u32 s10, $0x1;
	s8 =	smul.u32 $0x6400, s0  }
0x9: {  	s1 =	sor.u32 s0, s1;
	s7 =	ssub.s32 $0x2, s0;
	s0 =	smul.u32 $0x19000, s0  }
0xa: {  	[smem:$0x7FF] =	sst s2;
	s10 =	simm.s32 $0x8;
	s5 =	smul.u32 $0xC80, s1  }
0xb: {  	_ =	strace $0x80000047;
	s1 =	smul.u32 $0xC8000, s1;
	s9 =	sshrl.u32 s7, $0x1  }
0xc: {  	s7 =	ssub.s32 s7, s9;
	s6 =	sadd.s32 s8, s6;
	s8 =	simm.s32 $0x6  }
0xd: {  	s9 =	simm.s32 $0x7;
	s5 =	sadd.s32 s5, s3;
	s3 =	sadd.s32 $0xF42E00, s3  }
0xe: {  	s1 =	sshrl.u32 s1, $0x3;
	s19 =	sshll.u32 s6, $0x2;
	s26 =	smax.u32 s7, $0x1  }
0xf: {  	s6 =	simm.s32 $0x4;
	s7 =	simm.s32 $0x5;
	s5 =	sadd.s32 $0xA00, s5  }
0x10: {  	s1 =	sadd.s32 s4, s1;
	[dreg:$0xc] =	wrdreg s26;
	s26 =	simm.s32 $0x11400  }
0x11: {  	[dreg:$0x7] =	wrdreg s5;
	s20 =	sadd.s32 $0x16800, s1;
	s21 =	sadd.s32 $0x17200, s1  }
0x12: {  	s5 =	sadd.s32 s19, s4;
	s22 =	sadd.s32 $0x17C00, s1;
	[dreg:$0x8] =	wrdreg s20  }
0x13: {  	s4 =	sadd.s32 s24, s4;
	s1 =	sadd.s32 $0x18600, s1;
	[dreg:$0x9] =	wrdreg s21  }
0x14: {  	s19 =	simm.s32 $0x9400;
	s24 =	simm.s32 $0x13400;
	[dreg:$0xa] =	wrdreg s22  }
0x15: {  	s23 =	sadd.s32 $0x1E00, s5;
	s25 =	sadd.s32 $0x1400, s5;
	[dreg:$0xb] =	wrdreg s1  }
0x16: {  	s5 =	sadd.s32 $0xA00, s5;
	s0 =	sadd.s32 s0, s4;
	[dreg:$0x3] =	wrdreg s23  }
0x17: {  	s21 =	simm.s32 $0xB400;
	s22 =	simm.s32 $0xF400;
	[dreg:$0x4] =	wrdreg s25  }
0x18: {  	s1 =	simm.s32 $0x10400;
	s20 =	simm.s32 $0x1;
	[dreg:$0x5] =	wrdreg s5  }
0x19: {  	s4 =	simm.s32 $0x2;
	[dreg:$0x6] =	wrdreg s0;
	s23 =	simm.s32 $0xA400  }
0x1a: {  	s25 =	simm.s32 $0xC400;
	s0 =	simm.s32 $0x14400;
	s5 =	simm.s32 $0x3  }
.LBB2_1:
0x1b: {  	s13 =	rddreg [dreg:$0x7]  }
0x1c: {  	[tilespmem:s2], [sflag:$0x9] =	stream.linear.gather [hbm4b:s13+s2], $0x6400, $0x38;
	[tilespmem:$0x1A400] =	vst v63  }
0x1d: {  	[dreg:$0xd] =	wrdreg s28;
	s13 =	simm.s32 $0x9  }
0x1e: {  	_ =	swait.ge [sflag:s13], $0x6400  }
0x1f: {  	[sflag:s13] =	ssyncset.done $0x0  }
0x20: {  	[sflag:s13] =	ssyncadd.s32 $0xFFFF9C00  }
0x21: {  	[tilespmem:s12], [sflag:$0x1] =	stream.indirect.gather [hbm4b:s3+s11], $0x20, s2, s11, $0xb8;
	[tilespmem:$0x1A400] =	vst v63  }
0x22: {  	_ = 	snop  }
0x23: {  	[tilespmem:s15], [sflag:$0x1] =	stream.indirect.gather [hbm4b:s3+s11], $0x20, s11, s11, $0xb8;
	[tilespmem:$0x1A400] =	vst v63  }
0x24: {  	s13 =	simm.s32 $0x100  }
0x25: {  	[tilespmem:s17], [sflag:$0x1] =	stream.indirect.gather [hbm4b:s3+s11], $0x20, s13, s11, $0xb8;
	[tilespmem:$0x1A400] =	vst v63  }
0x26: {  	s13 =	simm.s32 $0x180  }
0x27: {  	[tilespmem:s19], [sflag:$0x1] =	stream.indirect.gather [hbm4b:s3+s11], $0x20, s13, s11, $0xb8;
	[tilespmem:$0x1A400] =	vst v63  }
0x28: {  	s13 =	simm.s32 $0x200  }
0x29: {  	[tilespmem:s23], [sflag:$0x1] =	stream.indirect.gather [hbm4b:s3+s11], $0x20, s13, s11, $0xb8;
	[tilespmem:$0x1A400] =	vst v63  }
0x2a: {  	s13 =	simm.s32 $0x280  }
0x2b: {  	[tilespmem:s21], [sflag:$0x2] =	stream.indirect.gather [hbm4b:s3+s11], $0x20, s13, s11, $0xb8;
	[tilespmem:$0x1A400] =	vst v63  }
0x2c: {  	s13 =	simm.s32 $0x300  }
0x2d: {  	[tilespmem:s25], [sflag:$0x2] =	stream.indirect.gather [hbm4b:s3+s11], $0x20, s13, s11, $0xb8;
	[tilespmem:$0x1A400] =	vst v63  }
0x2e: {  	s13 =	simm.s32 $0x380  }
0x2f: {  	[tilespmem:s14], [sflag:$0x2] =	stream.indirect.gather [hbm4b:s3+s11], $0x20, s13, s11, $0xb8;
	[tilespmem:$0x1A400] =	vst v63  }
0x30: {  	s13 =	simm.s32 $0x400  }
0x31: {  	[tilespmem:s18], [sflag:$0x2] =	stream.indirect.gather [hbm4b:s3+s11], $0x20, s13, s11, $0xb8;
	[tilespmem:$0x1A400] =	vst v63  }
0x32: {  	s13 =	simm.s32 $0x480  }
0x33: {  	[tilespmem:s22], [sflag:$0x2] =	stream.indirect.gather [hbm4b:s3+s11], $0x20, s13, s11, $0xb8;
	[tilespmem:$0x1A400] =	vst v63  }
0x34: {  	s13 =	simm.s32 $0x500  }
0x35: {  	[tilespmem:s1], [sflag:$0x3] =	stream.indirect.gather [hbm4b:s3+s11], $0x20, s13, s11, $0xb8;
	[tilespmem:$0x1A400] =	vst v63  }
0x36: {  	s13 =	simm.s32 $0x580  }
0x37: {  	[tilespmem:s26], [sflag:$0x3] =	stream.indirect.gather [hbm4b:s3+s11], $0x20, s13, s11, $0xb8;
	[tilespmem:$0x1A400] =	vst v63  }
0x38: {  	s13 =	simm.s32 $0x600  }
0x39: {  	[tilespmem:s16], [sflag:$0x3] =	stream.indirect.gather [hbm4b:s3+s11], $0x20, s13, s11, $0xb8;
	[tilespmem:$0x1A400] =	vst v63  }
0x3a: {  	s13 =	simm.s32 $0x680  }
0x3b: {  	[tilespmem:s24], [sflag:$0x3] =	stream.indirect.gather [hbm4b:s3+s11], $0x20, s13, s11, $0xb8;
	[tilespmem:$0x1A400] =	vst v63  }
0x3c: {  	s13 =	simm.s32 $0x700  }
0x3d: {  	[tilespmem:s0], [sflag:$0x3] =	stream.indirect.gather [hbm4b:s3+s11], $0x20, s13, s11, $0xb8;
	[tilespmem:$0x1A400] =	vst v63  }
0x3e: {  	s13 =	simm.s32 $0x780  }
0x3f: {  	[tilespmem:s31], [sflag:$0x4] =	stream.indirect.gather [hbm4b:s3+s11], $0x20, s13, s11, $0xb8;
	[tilespmem:$0x1A400] =	vst v63  }
0x40: {  	s28 =	simm.s32 $0x16400;
	s13 =	simm.s32 $0x800  }
0x41: {  	[tilespmem:s28], [sflag:$0x4] =	stream.indirect.gather [hbm4b:s3+s11], $0x20, s13, s11, $0xb8;
	[tilespmem:$0x1A400] =	vst v63  }
0x42: {  	s13 =	simm.s32 $0x880  }
0x43: {  	[tilespmem:s29], [sflag:$0x4] =	stream.indirect.gather [hbm4b:s3+s11], $0x20, s13, s11, $0xb8;
	[tilespmem:$0x1A400] =	vst v63  }
0x44: {  	s13 =	simm.s32 $0x900  }
0x45: {  	[tilespmem:s30], [sflag:$0x4] =	stream.indirect.gather [hbm4b:s3+s11], $0x20, s13, s11, $0xb8;
	[tilespmem:$0x1A400] =	vst v63  }
0x46: {  	s28 =	simm.s32 $0x980;
	s13 =	simm.s32 $0x19400  }
0x47: {  	[tilespmem:s13], [sflag:$0x4] =	stream.indirect.gather [hbm4b:s3+s11], $0x20, s28, s11, $0xb8;
	[tilespmem:$0x1A400] =	vst v63  }
0x48: {  	_ =	swait.ge [sflag:s20], $0x5000  }
0x49: {  	s13 =	rddreg [dreg:$0x6];
	[sflag:s20] =	ssyncset.done $0x0  }
0x4a: {  	[sflag:s20] =	ssyncadd.s32 $0xFFFFB000;
	s13 =	sadd.s32 $0x0, s13  }
0x4b: {  	[hbm4b:s13+s2] =	stream.linear.scatter [tilespmem:s12], [sflag:$0x5], $0x5000, $0x38;
	[tilespmem:$0x1A400] =	vst v63  }
0x4c: {  	_ =	swait.ge [sflag:s4], $0x5000  }
0x4d: {  	s13 =	rddreg [dreg:$0x5];
	[sflag:s4] =	ssyncset.done $0x0  }
0x4e: {  	[sflag:s4] =	ssyncadd.s32 $0xFFFFB000;
	s13 =	sadd.s32 $0x0, s13  }
0x4f: {  	[hbm4b:s13+s2] =	stream.linear.scatter [tilespmem:s21], [sflag:$0x6], $0x5000, $0x38;
	[tilespmem:$0x1A400] =	vst v63  }
0x50: {  	_ =	swait.ge [sflag:s5], $0x5000  }
0x51: {  	s13 =	rddreg [dreg:$0x4];
	[sflag:s5] =	ssyncset.done $0x0  }
0x52: {  	[sflag:s5] =	ssyncadd.s32 $0xFFFFB000;
	s13 =	sadd.s32 $0x0, s13  }
0x53: {  	[hbm4b:s13+s2] =	stream.linear.scatter [tilespmem:s1], [sflag:$0x7], $0x5000, $0x38;
	[tilespmem:$0x1A400] =	vst v63  }
0x54: {  	_ =	swait.ge [sflag:s6], $0x5000  }
0x55: {  	s13 =	rddreg [dreg:$0x3];
	[sflag:s6] =	ssyncset.done $0x0  }
0x56: {  	[sflag:s6] =	ssyncadd.s32 $0xFFFFB000;
	s13 =	sadd.s32 $0x0, s13  }
0x57: {  	[hbm4b:s13+s2] =	stream.linear.scatter [tilespmem:s31], [sflag:$0x8], $0x5000, $0x38;
	[tilespmem:$0x1A400] =	vst v63  }
0x58: {  	_ =	swait.ge [sflag:s7], $0x5000  }
0x59: {  	[sflag:s7] =	ssyncset.done $0x0  }
0x5a: {  	s13 =	simm.s32 $0xA00;
	[sflag:s7] =	ssyncadd.s32 $0xFFFFB000  }
0x5b: {  	[tilespmem:s12], [sflag:$0x1] =	stream.indirect.gather [hbm4b:s3+s11], $0x20, s13, s11, $0xb8;
	[tilespmem:$0x1A400] =	vst v63  }
0x5c: {  	s13 =	simm.s32 $0xA80  }
0x5d: {  	[tilespmem:s15], [sflag:$0x1] =	stream.indirect.gather [hbm4b:s3+s11], $0x20, s13, s11, $0xb8;
	[tilespmem:$0x1A400] =	vst v63  }
0x5e: {  	s15 =	simm.s32 $0xB00  }
0x5f: {  	[tilespmem:s17], [sflag:$0x1] =	stream.indirect.gather [hbm4b:s3+s11], $0x20, s15, s11, $0xb8;
	[tilespmem:$0x1A400] =	vst v63  }
0x60: {  	s17 =	simm.s32 $0xB80  }
0x61: {  	[tilespmem:s19], [sflag:$0x1] =	stream.indirect.gather [hbm4b:s3+s11], $0x20, s17, s11, $0xb8;
	[tilespmem:$0x1A400] =	vst v63  }
0x62: {  	s19 =	simm.s32 $0xC00  }
0x63: {  	[tilespmem:s23], [sflag:$0x1] =	stream.indirect.gather [hbm4b:s3+s11], $0x20, s19, s11, $0xb8;
	[tilespmem:$0x1A400] =	vst v63  }
0x64: {  	_ =	swait.ge [sflag:s8], $0x5000  }
0x65: {  	[sflag:s8] =	ssyncset.done $0x0  }
0x66: {  	s15 =	simm.s32 $0xC80;
	[sflag:s8] =	ssyncadd.s32 $0xFFFFB000  }
0x67: {  	[tilespmem:s21], [sflag:$0x2] =	stream.indirect.gather [hbm4b:s3+s11], $0x20, s15, s11, $0xb8;
	[tilespmem:$0x1A400] =	vst v63  }
0x68: {  	s17 =	simm.s32 $0xD00  }
0x69: {  	[tilespmem:s25], [sflag:$0x2] =	stream.indirect.gather [hbm4b:s3+s11], $0x20, s17, s11, $0xb8;
	[tilespmem:$0x1A400] =	vst v63  }
0x6a: {  	s19 =	simm.s32 $0xD80  }
0x6b: {  	[tilespmem:s14], [sflag:$0x2] =	stream.indirect.gather [hbm4b:s3+s11], $0x20, s19, s11, $0xb8;
	[tilespmem:$0x1A400] =	vst v63  }
0x6c: {  	s23 =	simm.s32 $0xE00  }
0x6d: {  	[tilespmem:s18], [sflag:$0x2] =	stream.indirect.gather [hbm4b:s3+s11], $0x20, s23, s11, $0xb8;
	[tilespmem:$0x1A400] =	vst v63  }
0x6e: {  	s25 =	simm.s32 $0xE80  }
0x6f: {  	[tilespmem:s22], [sflag:$0x2] =	stream.indirect.gather [hbm4b:s3+s11], $0x20, s25, s11, $0xb8;
	[tilespmem:$0x1A400] =	vst v63  }
0x70: {  	_ =	swait.ge [sflag:s9], $0x5000  }
0x71: {  	[sflag:s9] =	ssyncset.done $0x0  }
0x72: {  	s14 =	simm.s32 $0xF00;
	[sflag:s9] =	ssyncadd.s32 $0xFFFFB000  }
0x73: {  	[tilespmem:s1], [sflag:$0x3] =	stream.indirect.gather [hbm4b:s3+s11], $0x20, s14, s11, $0xb8;
	[tilespmem:$0x1A400] =	vst v63  }
0x74: {  	s15 =	simm.s32 $0xF80  }
0x75: {  	[tilespmem:s26], [sflag:$0x3] =	stream.indirect.gather [hbm4b:s3+s11], $0x20, s15, s11, $0xb8;
	[tilespmem:$0x1A400] =	vst v63  }
0x76: {  	s17 =	simm.s32 $0x1000  }
0x77: {  	[tilespmem:s16], [sflag:$0x3] =	stream.indirect.gather [hbm4b:s3+s11], $0x20, s17, s11, $0xb8;
	[tilespmem:$0x1A400] =	vst v63  }
0x78: {  	s18 =	simm.s32 $0x1080  }
0x79: {  	[tilespmem:s24], [sflag:$0x3] =	stream.indirect.gather [hbm4b:s3+s11], $0x20, s18, s11, $0xb8;
	[tilespmem:$0x1A400] =	vst v63  }
0x7a: {  	s28 =	simm.s32 $0xA400;
	s19 =	simm.s32 $0x1100  }
0x7b: {  	[tilespmem:s0], [sflag:$0x3] =	stream.indirect.gather [hbm4b:s3+s11], $0x20, s19, s11, $0xb8;
	[tilespmem:$0x1A400] =	vst v63  }
0x7c: {  	s13 =	simm.s32 $0x2800;
	s23 =	simm.s32 $0x1200;
	_ =	swait.ge [sflag:s10], $0x5000  }
0x7d: {  	s22 =	simm.s32 $0x1180;
	s25 =	simm.s32 $0x1280;
	[sflag:s10] =	ssyncset.done $0x0  }
0x7e: {  	s14 =	simm.s32 $0xD400;
	s26 =	simm.s32 $0x1300;
	[sflag:s10] =	ssyncadd.s32 $0xFFFFB000  }
0x7f: {  	[tilespmem:s31], [sflag:$0x4] =	stream.indirect.gather [hbm4b:s3+s11], $0x20, s22, s11, $0xb8;
	[tilespmem:$0x1A400] =	vst v63  }
0x80: {  	s15 =	simm.s32 $0x1380;
	s16 =	simm.s32 $0x12400;
	s24 =	simm.s32 $0x16400  }
0x81: {  	[tilespmem:s24], [sflag:$0x4] =	stream.indirect.gather [hbm4b:s3+s11], $0x20, s23, s11, $0xb8;
	[tilespmem:$0x1A400] =	vst v63  }
0x82: {  	s18 =	simm.s32 $0xE400;
	s0 =	simm.s32 $0x14400;
	s22 =	simm.s32 $0xF400  }
0x83: {  	[tilespmem:s29], [sflag:$0x4] =	stream.indirect.gather [hbm4b:s3+s11], $0x20, s25, s11, $0xb8;
	[tilespmem:$0x1A400] =	vst v63  }
0x84: {  	s24 =	simm.s32 $0x13400;
	s23 =	simm.s32 $0x8400;
	s25 =	simm.s32 $0x17400  }
0x85: {  	[tilespmem:s30], [sflag:$0x4] =	stream.indirect.gather [hbm4b:s3+s11], $0x20, s26, s11, $0xb8;
	[tilespmem:$0x1A400] =	vst v63  }
0x86: {  	s29 =	simm.s32 $0x16400;
	s30 =	simm.s32 $0xC400;
	s26 =	simm.s32 $0x11400  }
.LBB2_2:
0x87: {  	s17 =	simm.s32 $0x19400  }
0x88: {  	[tilespmem:s17], [sflag:$0x4] =	stream.indirect.gather [hbm4b:s3+s11], $0x20, s15, s11, $0xb8;
	[tilespmem:$0x1A400] =	vst v63  }
0x89: {  	_ =	swait.ge [sflag:s20], $0x5000  }
0x8a: {  	s15 =	smov.u32 s13;
	s19 =	rddreg [dreg:$0x6];
	[sflag:s20] =	ssyncset.done $0x0  }
0x8b: {  	[sflag:s20] =	ssyncadd.s32 $0xFFFFB000;
	s17 =	sadd.s32 s15, s19  }
0x8c: {  	[hbm4b:s17+s2] =	stream.linear.scatter [tilespmem:s12], [sflag:$0x5], $0x5000, $0x38;
	[tilespmem:$0x1A400] =	vst v63  }
0x8d: {  	_ =	swait.ge [sflag:s4], $0x5000  }
0x8e: {  	s19 =	rddreg [dreg:$0x5];
	[sflag:s4] =	ssyncset.done $0x0  }
0x8f: {  	[sflag:s4] =	ssyncadd.s32 $0xFFFFB000;
	s17 =	sadd.s32 s15, s19  }
0x90: {  	[hbm4b:s17+s2] =	stream.linear.scatter [tilespmem:s21], [sflag:$0x6], $0x5000, $0x38;
	[tilespmem:$0x1A400] =	vst v63  }
0x91: {  	_ =	swait.ge [sflag:s5], $0x5000  }
0x92: {  	s19 =	rddreg [dreg:$0x4];
	[sflag:s5] =	ssyncset.done $0x0  }
0x93: {  	[sflag:s5] =	ssyncadd.s32 $0xFFFFB000;
	s17 =	sadd.s32 s15, s19  }
0x94: {  	[hbm4b:s17+s2] =	stream.linear.scatter [tilespmem:s1], [sflag:$0x7], $0x5000, $0x38;
	[tilespmem:$0x1A400] =	vst v63  }
0x95: {  	_ =	swait.ge [sflag:s6], $0x5000  }
0x96: {  	s19 =	rddreg [dreg:$0x3];
	[sflag:s6] =	ssyncset.done $0x0  }
0x97: {  	[sflag:s6] =	ssyncadd.s32 $0xFFFFB000;
	s17 =	sadd.s32 s15, s19  }
0x98: {  	[hbm4b:s17+s2] =	stream.linear.scatter [tilespmem:s31], [sflag:$0x8], $0x5000, $0x38;
	[tilespmem:$0x1A400] =	vst v63  }
0x99: {  	_ =	swait.ge [sflag:s7], $0x5000  }
0x9a: {  	s15 =	sshra.s32 s15, $0x2;
	[sflag:s7] =	ssyncset.done $0x0  }
0x9b: {  	s19 =	sadd.s32 $0xA00, s15;
	[sflag:s7] =	ssyncadd.s32 $0xFFFFB000  }
0x9c: {  	[tilespmem:s12], [sflag:$0x1] =	stream.indirect.gather [hbm4b:s3+s11], $0x20, s19, s11, $0xb8;
	[tilespmem:$0x1A400] =	vst v63  }
0x9d: {  	s17 =	sadd.s32 $0xA80, s15;
	s19 =	simm.s32 $0x7400  }
0x9e: {  	[tilespmem:s19], [sflag:$0x1] =	stream.indirect.gather [hbm4b:s3+s11], $0x20, s17, s11, $0xb8;
	[tilespmem:$0x1A400] =	vst v63  }
0x9f: {  	s19 =	sadd.s32 $0xB00, s15  }
0xa0: {  	[tilespmem:s23], [sflag:$0x1] =	stream.indirect.gather [hbm4b:s3+s11], $0x20, s19, s11, $0xb8;
	[tilespmem:$0x1A400] =	vst v63  }
0xa1: {  	s17 =	sadd.s32 $0xB80, s15;
	s19 =	simm.s32 $0x9400  }
0xa2: {  	[tilespmem:s19], [sflag:$0x1] =	stream.indirect.gather [hbm4b:s3+s11], $0x20, s17, s11, $0xb8;
	[tilespmem:$0x1A400] =	vst v63  }
0xa3: {  	s19 =	sadd.s32 $0xC00, s15  }
0xa4: {  	[tilespmem:s28], [sflag:$0x1] =	stream.indirect.gather [hbm4b:s3+s11], $0x20, s19, s11, $0xb8;
	[tilespmem:$0x1A400] =	vst v63  }
0xa5: {  	_ =	swait.ge [sflag:s8], $0x5000  }
0xa6: {  	[sflag:s8] =	ssyncset.done $0x0  }
0xa7: {  	s19 =	sadd.s32 $0xC80, s15;
	[sflag:s8] =	ssyncadd.s32 $0xFFFFB000  }
0xa8: {  	[tilespmem:s21], [sflag:$0x2] =	stream.indirect.gather [hbm4b:s3+s11], $0x20, s19, s11, $0xb8;
	[tilespmem:$0x1A400] =	vst v63  }
0xa9: {  	s19 =	sadd.s32 $0xD00, s15  }
0xaa: {  	[tilespmem:s30], [sflag:$0x2] =	stream.indirect.gather [hbm4b:s3+s11], $0x20, s19, s11, $0xb8;
	[tilespmem:$0x1A400] =	vst v63  }
0xab: {  	s19 =	sadd.s32 $0xD80, s15  }
0xac: {  	[tilespmem:s14], [sflag:$0x2] =	stream.indirect.gather [hbm4b:s3+s11], $0x20, s19, s11, $0xb8;
	[tilespmem:$0x1A400] =	vst v63  }
0xad: {  	s19 =	sadd.s32 $0xE00, s15  }
0xae: {  	[tilespmem:s18], [sflag:$0x2] =	stream.indirect.gather [hbm4b:s3+s11], $0x20, s19, s11, $0xb8;
	[tilespmem:$0x1A400] =	vst v63  }
0xaf: {  	s19 =	sadd.s32 $0xE80, s15  }
0xb0: {  	[tilespmem:s22], [sflag:$0x2] =	stream.indirect.gather [hbm4b:s3+s11], $0x20, s19, s11, $0xb8;
	[tilespmem:$0x1A400] =	vst v63  }
0xb1: {  	_ =	swait.ge [sflag:s9], $0x5000  }
0xb2: {  	[sflag:s9] =	ssyncset.done $0x0  }
0xb3: {  	s19 =	sadd.s32 $0xF00, s15;
	[sflag:s9] =	ssyncadd.s32 $0xFFFFB000  }
0xb4: {  	[tilespmem:s1], [sflag:$0x3] =	stream.indirect.gather [hbm4b:s3+s11], $0x20, s19, s11, $0xb8;
	[tilespmem:$0x1A400] =	vst v63  }
0xb5: {  	s19 =	sadd.s32 $0xF80, s15  }
0xb6: {  	[tilespmem:s26], [sflag:$0x3] =	stream.indirect.gather [hbm4b:s3+s11], $0x20, s19, s11, $0xb8;
	[tilespmem:$0x1A400] =	vst v63  }
0xb7: {  	s19 =	sadd.s32 $0x1000, s15  }
0xb8: {  	[tilespmem:s16], [sflag:$0x3] =	stream.indirect.gather [hbm4b:s3+s11], $0x20, s19, s11, $0xb8;
	[tilespmem:$0x1A400] =	vst v63  }
0xb9: {  	s19 =	sadd.s32 $0x1080, s15  }
0xba: {  	[tilespmem:s24], [sflag:$0x3] =	stream.indirect.gather [hbm4b:s3+s11], $0x20, s19, s11, $0xb8;
	[tilespmem:$0x1A400] =	vst v63  }
0xbb: {  	s19 =	sadd.s32 $0x1100, s15  }
0xbc: {  	[tilespmem:s0], [sflag:$0x3] =	stream.indirect.gather [hbm4b:s3+s11], $0x20, s19, s11, $0xb8;
	[tilespmem:$0x1A400] =	vst v63  }
0xbd: {  	_ =	swait.ge [sflag:s10], $0x5000  }
0xbe: {  	[sflag:s10] =	ssyncset.done $0x0  }
0xbf: {  	s19 =	sadd.s32 $0x1180, s15;
	[sflag:s10] =	ssyncadd.s32 $0xFFFFB000  }
0xc0: {  	[tilespmem:s31], [sflag:$0x4] =	stream.indirect.gather [hbm4b:s3+s11], $0x20, s19, s11, $0xb8;
	[tilespmem:$0x1A400] =	vst v63  }
0xc1: {  	p0 =	sne.s32 s13, $0x14000;
	s19 =	sadd.s32 $0x1200, s15  }
0xc2: {  	[tilespmem:s29], [sflag:$0x4] =	stream.indirect.gather [hbm4b:s3+s11], $0x20, s19, s11, $0xb8;
	[tilespmem:$0x1A400] =	vst v63  }
.Ltmp0:
0xc3: {  	_ = 	snop;
	(pc) =	sbr.rel @p0 .LBB2_2-.Ltmp0, $4  }
0xc4: {  	s13 =	sadd.s32 $0x2800, s13;
	s19 =	sadd.s32 $0x1280, s15  }
0xc5: {  	[tilespmem:s25], [sflag:$0x4] =	stream.indirect.gather [hbm4b:s3+s11], $0x20, s19, s11, $0xb8;
	[tilespmem:$0x1A400] =	vst v63  }
0xc6: {  	s17 =	sadd.s32 $0x1300, s15;
	s15 =	sadd.s32 $0x1380, s15;
	s19 =	simm.s32 $0x18400  }
0xc7: {  	[tilespmem:s19], [sflag:$0x4] =	stream.indirect.gather [hbm4b:s3+s11], $0x20, s17, s11, $0xb8;
	[tilespmem:$0x1A400] =	vst v63  }
0xc8: {  	s0 =	simm.s32 $0x19400  }
0xc9: {  	[tilespmem:s0], [sflag:$0x4] =	stream.indirect.gather [hbm4b:s3+s11], $0x20, s15, s11, $0xb8;
	[tilespmem:$0x1A400] =	vst v63  }
0xca: {  	_ =	swait.ge [sflag:s20], $0x5000  }
0xcb: {  	[sflag:s20] =	ssyncset.done $0x0  }
0xcc: {  	s13 =	rddreg [dreg:$0x8];
	[sflag:s20] =	ssyncadd.s32 $0xFFFFB000  }
0xcd: {  	[hbm4b:s13+s2] =	stream.linear.scatter [tilespmem:s12], [sflag:$0x5], $0x5000, $0x38;
	[tilespmem:$0x1A400] =	vst v63  }
0xce: {  	_ =	swait.ge [sflag:s4], $0x5000  }
0xcf: {  	[sflag:s4] =	ssyncset.done $0x0  }
0xd0: {  	s23 =	rddreg [dreg:$0x9];
	[sflag:s4] =	ssyncadd.s32 $0xFFFFB000  }
0xd1: {  	[hbm4b:s23+s2] =	stream.linear.scatter [tilespmem:s21], [sflag:$0x6], $0x5000, $0x38;
	[tilespmem:$0x1A400] =	vst v63  }
0xd2: {  	_ =	swait.ge [sflag:s5], $0x5000  }
0xd3: {  	[sflag:s5] =	ssyncset.done $0x0  }
0xd4: {  	s24 =	rddreg [dreg:$0xa];
	[sflag:s5] =	ssyncadd.s32 $0xFFFFB000  }
0xd5: {  	[hbm4b:s24+s2] =	stream.linear.scatter [tilespmem:s1], [sflag:$0x7], $0x5000, $0x38;
	[tilespmem:$0x1A400] =	vst v63  }
0xd6: {  	_ =	swait.ge [sflag:s6], $0x5000  }
0xd7: {  	[sflag:s6] =	ssyncset.done $0x0  }
0xd8: {  	s25 =	rddreg [dreg:$0xb];
	[sflag:s6] =	ssyncadd.s32 $0xFFFFB000  }
0xd9: {  	[hbm4b:s25+s2] =	stream.linear.scatter [tilespmem:s31], [sflag:$0x8], $0x5000, $0x38;
	[tilespmem:$0x1A400] =	vst v63  }
0xda: {  	_ =	swait.ge [sflag:s7], $0x5000  }
0xdb: {  	[sflag:s7] =	ssyncset.done $0x0  }
0xdc: {  	[sflag:s7] =	ssyncadd.s32 $0xFFFFB000  }
0xdd: {  	_ =	swait.ge [sflag:s8], $0x5000  }
0xde: {  	[sflag:s8] =	ssyncset.done $0x0  }
0xdf: {  	[sflag:s8] =	ssyncadd.s32 $0xFFFFB000  }
0xe0: {  	_ =	swait.ge [sflag:s9], $0x5000  }
0xe1: {  	[sflag:s9] =	ssyncset.done $0x0  }
0xe2: {  	[sflag:s9] =	ssyncadd.s32 $0xFFFFB000  }
0xe3: {  	_ =	swait.ge [sflag:s10], $0x5000  }
0xe4: {  	s28 =	rddreg [dreg:$0xd]  }
0xe5: {  	s26 =	rddreg [dreg:$0xc];
	s28 =	sadd.s32 $0x1, s28  }
0xe6: {  	s17 =	simm.s32 $0x8400;
	s19 =	simm.s32 $0x9400;
	p0 =	sne.s32 s28, s26  }
.Ltmp1:
0xe7: {  	s14 =	simm.s32 $0xD400;
	s18 =	simm.s32 $0xE400;
	(pc) =	sbr.rel @p0 .LBB2_1-.Ltmp1, $4  }
0xe8: {  	s22 =	simm.s32 $0xF400;
	s16 =	simm.s32 $0x12400;
	s29 =	simm.s32 $0x17400  }
0xe9: {  	s30 =	simm.s32 $0x18400;
	s15 =	simm.s32 $0x7400;
	s0 =	simm.s32 $0x14400  }
0xea: {  	s23 =	simm.s32 $0xA400;
	s24 =	simm.s32 $0x13400;
	[sflag:s10] =	ssyncset.done $0x0  }
0xeb: {  	s25 =	simm.s32 $0xC400;
	[sflag:s10] =	ssyncadd.s32 $0xFFFFB000;
	s26 =	simm.s32 $0x11400  }
0xec: {  	_ =	sfence.sel $0x180000  }
0xed: {  	[bflag:$0x0] =	sbarrier.arrive $0xFFFF  }
0xee: {  	_ =	strace $0x90000047  }
0xef: {  	s0 =	stileid.u32;
	[bflag:$0x2] =	sbarrier.arrive $0xFFFF  }
0xf0: {  	p0 =	sne.s32 s0, $0x0;
	s0 =	rddreg [dreg:$0x2]  }
0xf1: {  	s0 =	sadd.s32 @!p0 $0x100000, s0  }
0xf2: {  	[sflag:s0] =	ssyncadd.tile.s32 @!p0 $0x1;
	_ =	shalt  }
.Lfunc_end2:
_tile_overlayer_lowered:
.L_overlay_start_2:
0xf3: {  	(tag) =	ssettag $0x2  }
0xf4: {  	s0 =	rddreg [dreg:$0x0];
	s2 =	stileid.u32  }
0xf5: {  	s1 =	rddreg [dreg:$0x1];
	p0 =	sne.s32 s2, $0x0  }
0xf6: {  	s3 =	rddreg [dreg:$0x2];
	[bflag:$0x3] =	sbarrier.arrive $0xFFFF;
	s2 =	simm.s32 @!p0 $0x1C09  }
0xf7: {  	[timem:s3], [sflag:s2] =	dma.local @!p0 [hbm:s0], s1  }
0xf8: {  	s0 =	simm.s32 @!p0 $0x9  }
0xf9: {  	_ =	swait.ge @!p0 [sflag:s0], s1  }
0xfa: {  	s1 =	ssub.s32 @!p0 $0x0, s1;
	[sflag:s0] =	ssyncset.done @!p0 $0x0  }
0xfb: {  	[sflag:s0] =	ssyncadd.s32 @!p0 s1  }
0xfc: {  	[bflag:$0x3] =	sbarrier.arrive $0xFFFF  }
0xfd: {  	_ =	shalt  }

// kernel: sparse-core-data-format-call.cloned.1.call-start
scs
called_computation_lowered:
.L_overlay_start_0:
0x0: {  	s2 =	sld [smem:$0x3FD9]  }
0x1: {  	s3 =	sld [smem:$0x3FFE];
	_ =	sdelay $0x1  }
0x2: {  	s1 =	srdreg.scid  }
0x3: {  	s0 =	sand.u32 $0x1, s1  }
0x4: {  	s18 =	sshll.u32 s0, $0xA;
	s2 =	sadd.s32 s3, s2  }
0x5: {  	s2 =	sadd.s32 s2, s18  }
0x6: {  	[smem:$0x3FC6] =	sst s2  }
0x7: {  	_ = 	snop  }
0x8: {  	s2 =	sld [smem:$0x3FD0];
	(tm) =	ssettm $0x1  }
0x9: {  	s19 =	sld [smem:$0x3FFB];
	_ =	sdelay $0x3  }
0xa: {  	_ =	strace s19  }
0xb: {  	s3 =	sld [smem:$0x3FFC];
	_ =	sdelay $0x3  }
0xc: {  	_ =	strace s3  }
0xd: {  	s3 =	sld [smem:$0x3FFD];
	_ =	sdelay $0x3  }
0xe: {  	_ =	strace s3  }
0xf: {  	_ =	strace $0x8FFFFFFF  }
0x10: {  	s20 =	sld [smem:$0x3FDB];
	_ =	sdelay $0x1  }
0x11: {  	s4 =	simm.s32 $_scs_section_size  }
0x12: {  	s5 =	simm.s32 $_size__tile_overlayer_lowered;
	s6 =	simm.s32 $_tile_overlayer_lowered  }
0x13: {  	s23 =	simm.s32 $0x1BFF;
	s22 =	sshll.u32 s6, $0x1;
	s3 =	sadd.s32 s4, s20  }
0x14: {  	s7 =	simm.s32 $0x0;
	s21 =	sshll.u32 s5, $0x1;
	s5 =	sadd.s32 s22, s3  }
0x15: {  	[timem:s7], [sflag:s23] =	dma.local [hbm:s5], s21  }
0x16: {  	_ =	swait.ge [sflag:s23], s21  }
0x17: {  	s4 =	ssub.s32 $0x0, s21;
	[sflag:s23] =	ssyncset.done $0x0  }
0x18: {  	[sflag:s23] =	ssyncadd.s32 s4;
	_ =	sdelay $0x1  }
0x19: {  	s24 =	simm.s32 $0x1B8B  }
0x1a: {  	_ =	swait.ge [sflag:s24], $0x1  }
0x1b: {  	[sflag:s24] =	ssyncset.done $0x0  }
0x1c: {  	s26 =	simm.s32 $0x1B8E;
	s25 =	sld [smem:$0x3FFE];
	[sflag:s24] =	ssyncadd.s32 $0xFFFFFFFF  }
0x1d: {  	s27 =	simm.s32 $execute0_lowered;
	[smem:$0x3FD2] =	sst s26  }
0x1e: {  	s5 =	sshll.u32 s27, $0x1;
	_ =	strace $0x80000049;
	[dreg:$0x1] =	wrdreg $0xFFFFFFFF  }
0x1f: {  	s28 =	simm.s32 $_size_execute0_lowered;
	s3 =	sadd.s32 s3, s5;
	[dreg:$0x0] =	wrdreg $0x0  }
0x20: {  	s5 =	sshll.u32 s28, $0x1;
	[dreg:$0x2] =	wrdreg s3  }
0x21: {  	[dreg:$0x3] =	wrdreg s5  }
0x22: {  	[dreg:$0x4] =	wrdreg $0xC0  }
0x23: {  	_ =	task [dreg:s7], $0x5FFFF  }
0x24: {  	[dreg:$0x1] =	wrdreg $0xFFFFFFFF  }
0x25: {  	[dreg:$0x0] =	wrdreg $0x60  }
0x26: {  	[dreg:$0x2] =	wrdreg s25  }
0x27: {  	[dreg:$0x3] =	wrdreg s2  }
0x28: {  	[dreg:$0x4] =	wrdreg $0x9  }
0x29: {  	_ =	task.clear_ibuf [dreg:s7], $0x5FFFF;
	_ =	strace $0x90000049  }
0x2a: {  	s29 =	simm.s32 $0x9;
	_ =	strace $0x8000004B  }
0x2b: {  	_ =	swait.ge [sflag:s29], $0x1  }
0x2c: {  	[sflag:s29] =	ssyncadd.s32 $0xFFFFFFFF  }
0x2d: {  	_ =	strace $0x9000004B  }
0x2e: {  	_ =	sfence  }
0x2f: {  	s30 =	sld [smem:$0x0];
	_ =	sdelay $0x2  }
0x30: {  	s31 =	sshll.u32 s1, $0xD;
	s1 =	sshrl.u32 s1, $0x2  }
0x31: {  	s3 =	sand.u32 $0x4000, s31;
	s1 =	sadd.s32 s1, s30  }
0x32: {  	s0 =	sor.u32 s3, s0;
	s1 =	sshll.u32 s1, $0x11  }
0x33: {  	s0 =	sor.u32 s1, s0  }
0x34: {  	s0 =	sadd.s32 $0x8F2B, s0  }
0x35: {  	[sflag:s0] =	ssyncadd.remote.s32 $0x1  }
0x36: {  	_ =	sfence.sel $0xFFFF  }
0x37: {  	[dreg:$0x0] =	wrdreg $0xFFFFFFFF;
	(pc) =	sbr.abs _section_cstart, $3  }
0x38: {  	[dreg:$0x1] =	wrdreg $0xFFFFFFFF  }
0x39: {  	_ =	task.clear_ibuf [dreg:s7], $0x2FFFF;
	_ =	strace $0x9FFFFFFF  }
0x3a: {  	(tm) =	ssettm $0x7FFFFFFF  }
0x3b: {  	_ =	shalt  }
tec
execute0_lowered:
.L_overlay_start_1:
0x0: {  	(tag) =	ssettag $0x1  }
0x1: {  	s0 =	srdreg.scid  }
0x2: {  	s1 =	sshll.u32 s0, $0x4  }
0x3: {  	s0 =	stileid.u32;
	s1 =	sand.u32 $0x10, s1  }
0x4: {  	s1 =	sor.u32 s0, s1  }
0x5: {  	s6 =	rddreg [dreg:$0x0];
	s4 =	simm.s32 $0x1;
	s2 =	sshll.u32 s1, $0x7  }
0x6: {  	s7 =	simm.s32 $0x2;
	s12 =	simm.s32 $0x0;
	s1 =	ssub.s32 $0x1000, s2  }
0x7: {  	s8 =	simm.s32 $0x8000;
	s13 =	simm.s32 $0x0;
	s3 =	sand.u32 $0xF80, s1  }
0x8: {  	s9 =	simm.s32 $0x0;
	s5 =	sshrl.u32 s1, $0xC;
	p0 =	sne.s32 s3, $0x0  }
.Ltmp0:
0x9: {  	s1 =	rddreg [dreg:$0x2];
	s4 =	simm.s32 @!p0 $0x0;
	(pc) =	sbr.rel .LBB1_1-.Ltmp0, $4  }
0xa: {  	s11 =	simm.s32 $0x0;
	s3 =	rddreg [dreg:$0x1];
	s5 =	sadd.s32 s4, s5  }
0xb: {  	_ =	strace $0x8000004A;
	s4 =	simm.s32 $0x1;
	s5 =	smul.u32 $0xC8, s5  }
0xc: {  	s6 =	sadd.s32 $0xA00, s6;
	s10 =	smov.u32 s2;
	[sflag:s4] =	ssyncpa.u1 $0x0  }
0xd: {  	p0 =	por $0x0, $0x0;
	[sflag:s7] =	ssyncpa.u1 $0x0;
	s7 =	sor.u32 $0x1, s5  }
.LBB1_4:
0xe: {  	s16 =	sshll.u32 s13, $0x3;
	s17 =	sand.u32 $0x78, s13  }
0xf: {  	s30 =	sand.u32 $0x3E00, s13;
	s12 =	sshll.u32 s12, $0xE;
	s16 =	sand.u32 $0xC00, s16  }
0x10: {  	s31 =	sand.u32 $0x7, s13;
	s16 =	sor.u32 s17, s16;
	s17 =	sadd.s32 s3, s30  }
0x11: {  	s13 =	sshll.u32 s31, $0x12;
	s16 =	sshrl.u32 s16, $0x3;
	s12 =	sadd.s32 s12, s17  }
0x12: {  	[tilespmem:s15+$0x0 ss:$0x81] =	vst.msk $0xffff, v0;
	s13 =	sor.u32 $0x400, s13;
	s12 =	sadd.s32 s16, s12  }
0x13: {  	[hbm4b:s12+s13] =	stream.strided.scatter [tilespmem:s14], [sflag:$0x2], $0x1000, s8, s13, $0x20;
	[tilespmem:$0x4040] =	vst v63  }
.LBB1_5:
0x14: {  	s14 =	sadd.s32 $0x1, s9  }
0x15: {  	s12 =	sadd.s32 $0x1000, s10;
	s16 =	smov.u32 s10;
	p2 =	sgt.s32 s14, $0xC7  }
0x16: {  	s16 =	smov.u32 @p2 s12  }
0x17: {  	s14 =	simm.s32 @p2 $0x0;
	p2 =	sgt.s32 s16, $0xFFF  }
0x18: {  	s16 =	smov.u32 @p2 s2;
	p2 =	sne.s32 s11, s7  }
.Ltmp1:
0x19: {  	p1 =	slt.u32 s11, $0x2;
	(pc) =	sbr.rel @!p2 .LBB1_6-.Ltmp1, $4  }
0x1a: {  	s15 =	simm.s32 @!p1 $0x2  }
0x1b: {  	s13 =	smov.u32 s10;
	p0 =	por !p0, !p0;
	_ =	swait.ge @!p1 [sflag:s15], $0x1000  }
0x1c: {  	s12 =	smov.u32 s9;
	[sflag:s15] =	ssyncset.done @!p1 $0x0;
	s9 =	smov.u32 s14  }
0x1d: {  	s11 =	sadd.s32 $0x1, s11;
	[sflag:s15] =	ssyncadd.s32 @!p1 $0xFFFFF000;
	s10 =	smov.u32 s16  }
.LBB1_1:
0x1e: {  	p1 =	sge.u32 s11, s5  }
0x1f: {  	s14 =	sand.u32 @!p1 $0x1FFFFFF, s9  }
0x20: {  	s15 =	smulhi.u32 @!p1 $0x147AE15, s14;
	_ =	sdelay $0x1  }
0x21: {  	s15 =	smul.u32 @!p1 $0xC8, s15  }
0x22: {  	s16 =	sxor.u32 @!p1 $0xFFFFFFFF, s11;
	s17 =	smul.u32 @!p1 $0xC80, s10  }
0x23: {  	s31 =	sadd.s32 $0xFFFFFFFF, s11;
	s16 =	sshll.u32 @!p1 s16, $0xC;
	s14 =	ssub.s32 @!p1 s14, s15  }
0x24: {  	s15 =	sand.u32 @!p1 $0x1000, s16;
	s16 =	sadd.s32 @!p1 s6, s17;
	s14 =	sshll.u32 @!p1 s14, $0x4  }
0x25: {  	s17 =	simm.s32 @!p1 $0x6400;
	s14 =	sadd.s32 @!p1 s14, s16;
	s16 =	simm.s32 @!p1 $0x20  }
0x26: {  	[tilespmem:s15], [sflag:$0x1] =	stream.strided.gather @!p1 [hbm4b:s14+s16], $0x1000, s17, s16, $0x38;
	[tilespmem:$0x4040] =	vst v63  }
0x27: {  	p1 =	sge.u32 s31, s5  }
.Ltmp2:
0x28: {  	_ = 	snop;
	(pc) =	sbr.rel @p1 .LBB1_5-.Ltmp2, $1  }
0x29: {  	_ =	sdelay $0x3  }
0x2a: {  	s14 =	simm.s32 $0x1  }
0x2b: {  	_ =	swait.ge [sflag:s4], $0x1000;
	s14 =	simm.s32 @!p0 $0x0  }
0x2c: {  	[sflag:s4] =	ssyncset.done $0x0;
	s15 =	sshll.u32 s14, $0xC  }
0x2d: {  	[sflag:s4] =	ssyncadd.s32 $0xFFFFF000;
	s18 =	sor.u32 $0x10, s15  }
0x2e: {  	s14 =	smul.u32 $0x4080, s14;
	v1 =	vld [tilespmem:s18+$0x0]  }
0x2f: {  	s30 =	sand.u32 $0x1, s11;
	v0 =	vld [tilespmem:s18+$0xFFFFFFF0]  }
0x30: {  	s15 =	smul.u32 $0x4080, s30;
	s14 =	sshrl.u32 s14, $0x2  }
0x31: {  	s16 =	sor.u32 $0x2000, s14  }
0x32: {  	s31 =	sshrl.u32 s15, $0x2;
	s15 =	sadd.s32 $0x0, s16  }
0x33: {  	s17 =	simm.s32 $0x4;
	s18 =	sadd.s32 $0x20, s18;
	s14 =	sor.u32 $0x2000, s31;
	[tilespmem:s15+$0x810 ss:$0x81] =	vst.msk $0xffff, v1  }
.LBB1_3:
0x34: {  	v1 =	vld [tilespmem:s18+$0x0];
	p1 =	sne.s32 s17, $0x1FC;
	[tilespmem:s15+$0x0 ss:$0x81] =	vst.msk $0xffff, v0;
	s15 =	smov.u32 s17;
	s17 =	sadd.s32 $0x4, s17  }
.Ltmp3:
0x35: {  	v0 =	vld [tilespmem:s18+$0xFFFFFFF0];
	(pc) =	sbr.rel @p1 .LBB1_3-.Ltmp3, $4  }
0x36: {  	_ = 	snop  }
0x37: {  	s15 =	sshra.s32 s15, $0x2  }
0x38: {  	s15 =	sadd.s32 s15, s16  }
0x39: {  	s18 =	sadd.s32 $0x20, s18;
	[tilespmem:s15+$0x810 ss:$0x81] =	vst.msk $0xffff, v1  }
.Ltmp4:
0x3a: {  	_ = 	snop;
	(pc) =	sbr.rel .LBB1_4-.Ltmp4, $1  }
0x3b: {  	_ =	sdelay $0x3  }
.LBB1_6:
0x3c: {  	_ =	sfence.sel $0x180000  }
0x3d: {  	s2 =	simm.s32 $0x1;
	[bflag:$0x0] =	sbarrier.arrive $0xFFFF  }
0x3e: {  	s31 =	simm.s32 $0x2;
	[sflag:s2] =	ssyncpa.u1 $0x1  }
0x3f: {  	[sflag:s31] =	ssyncpa.u1 $0x1  }
0x40: {  	p0 =	sne.s32 s0, $0x0;
	_ =	strace $0x9000004A  }
0x41: {  	s0 =	sadd.s32 @!p0 $0x100000, s1;
	[bflag:$0x2] =	sbarrier.arrive $0xFFFF  }
0x42: {  	[sflag:s0] =	ssyncadd.tile.s32 @!p0 $0x1;
	_ =	shalt  }
.Lfunc_end1:
_tile_overlayer_lowered:
.L_overlay_start_2:
0x43: {  	(tag) =	ssettag $0x2  }
0x44: {  	s0 =	rddreg [dreg:$0x0];
	s2 =	stileid.u32  }
0x45: {  	s1 =	rddreg [dreg:$0x1];
	p0 =	sne.s32 s2, $0x0  }
0x46: {  	s3 =	rddreg [dreg:$0x2];
	[bflag:$0x3] =	sbarrier.arrive $0xFFFF;
	s2 =	simm.s32 @!p0 $0x1C01  }
0x47: {  	[timem:s3], [sflag:s2] =	dma.local @!p0 [hbm:s0], s1  }
0x48: {  	s0 =	simm.s32 @!p0 $0x1  }
0x49: {  	_ =	swait.ge @!p0 [sflag:s0], s1  }
0x4a: {  	s1 =	ssub.s32 @!p0 $0x0, s1;
	[sflag:s0] =	ssyncset.done @!p0 $0x0  }
0x4b: {  	[sflag:s0] =	ssyncadd.s32 @!p0 s1  }
0x4c: {  	[bflag:$0x3] =	sbarrier.arrive $0xFFFF  }
0x4d: {  	_ =	shalt  }

</sc_bundles>
